<compile_context>
chip_gen: v7x
topology: tpu7x:2x2x1
jax: 0.10.2.dev20260603
libtpu: 0.0.44.dev20260713+nightly
codegen_flags: <defaults>
</compile_context>

<pallas_src>
import jax
import jax.numpy as jnp
from jax import lax
from jax.experimental import pallas as pl
from jax.experimental.pallas import tpu as pltpu
from jax.experimental.pallas import tpu_sc as plsc

NC = 2
NS = 16
L = 16
NW = NC * NS
NIMG = 32
P = 512 * 512
K = 16384
RANGE = 16.0
SCALE = K / RANGE
DELTA = RANGE / K
MAGIC = float(2 ** 23)
AMAG = MAGIC + SCALE
CI = 0x4B000000 + (K - 1)
CH = 8192
NCH = P // CH


def _body(lg_hbm, lb_hbm, out_hbm,
          lg0, lg1, lb0, lb1, cnt, outv,
          sg0, sb0, sg1, sb1):
    wid = lax.axis_index("s") * NC + lax.axis_index("c")

    zero = jnp.zeros((L,), jnp.float32)

    @plsc.parallel_loop(0, 2 * K // L, unroll=8)
    def _zc(i):
        cnt[pl.ds(i * L, L)] = zero

    ROWS = CH // 512

    def start(c, lgbuf, lbbuf, semg, semb):
        r0 = c * ROWS
        pltpu.make_async_copy(lg_hbm.at[wid, pl.ds(r0, ROWS), :], lgbuf, semg).start()
        pltpu.make_async_copy(lb_hbm.at[wid, pl.ds(r0, ROWS), :], lbbuf, semb).start()

    def wait(c, lgbuf, lbbuf, semg, semb):
        r0 = c * ROWS
        pltpu.make_async_copy(lg_hbm.at[wid, pl.ds(r0, ROWS), :], lgbuf, semg).wait()
        pltpu.make_async_copy(lb_hbm.at[wid, pl.ds(r0, ROWS), :], lbbuf, semb).wait()

    ones = jnp.ones((L,), jnp.float32)

    def compute_chunk(lgbuf, lbbuf):
        @plsc.parallel_loop(0, CH // L, unroll=8)
        def _ib(i):
            r = i >> 5
            c = (i & 31) * L
            lg = lgbuf[r, pl.ds(c, L)]
            lb = lbbuf[r, pl.ds(c, L)]
            t = lg * SCALE
            w = jnp.where(lb > 0, -t, t)
            u = w + AMAG
            rev = CI - plsc.bitcast(u, jnp.int32)
            rev = jnp.maximum(jnp.minimum(rev, K - 1), 0)
            plsc.addupdate_scatter(cnt, [rev + lb * K], ones)

    start(0, lg0, lb0, sg0, sb0)

    def cb(j, _):
        c0 = 2 * j
        start(c0 + 1, lg1, lb1, sg1, sb1)
        wait(c0, lg0, lb0, sg0, sb0)
        compute_chunk(lg0, lb0)

        @pl.when(j < NCH // 2 - 1)
        def _s():
            start(c0 + 2, lg0, lb0, sg0, sb0)

        wait(c0 + 1, lg1, lb1, sg1, sb1)
        compute_chunk(lg1, lb1)
        return 0

    lax.fori_loop(0, NCH // 2, cb, 0)

    def pp(i, acc):
        return acc + cnt[pl.ds(K + i * L, L)]
    p = jnp.sum(lax.fori_loop(0, K // L, pp, jnp.zeros((L,), jnp.float32),
                              unroll=8))

    last_mask = jnp.arange(L, dtype=jnp.int32) < (L - 1)

    def bb(i, carry):
        C, D, acc = carry
        off = i * L
        cp = cnt[pl.ds(K + off, L)]
        cn = cnt[pl.ds(off, L)]
        cum_c = C + plsc.cumsum(cp)
        cum_d = D + plsc.cumsum(cn)
        den = p + cum_d
        a = jnp.where(den > 0.0,
                      1.0 - (p - cum_c) / jnp.where(den > 0.0, den, 1.0),
                      0.0)
        a = jnp.where((i < K // L - 1) | last_mask, a, 0.0)
        return (C + jnp.sum(cp), D + jnp.sum(cn), acc + a)

    _, _, acc = lax.fori_loop(
        0, K // L, bb,
        (jnp.float32(0.0), jnp.float32(0.0), jnp.zeros((L,), jnp.float32)),
        unroll=2)
    loss = DELTA * (0.5 + jnp.sum(acc))

    outv[...] = jnp.full((L,), loss, jnp.float32)
    pltpu.sync_copy(outv, out_hbm.at[wid])


@jax.jit
def _lovasz_sc(logits, labels):
    mesh = plsc.VectorSubcoreMesh(core_axis_name="c", subcore_axis_name="s")
    k = pl.kernel(
        _body,
        out_type=jax.ShapeDtypeStruct((NW, L), jnp.float32),
        mesh=mesh,
        compiler_params=pltpu.CompilerParams(needs_layout_passes=False,
                                             use_tc_tiling_on_sc=True),
        scratch_types=[
            pltpu.VMEM((CH // 512, 512), jnp.float32),
            pltpu.VMEM((CH // 512, 512), jnp.float32),
            pltpu.VMEM((CH // 512, 512), jnp.int32),
            pltpu.VMEM((CH // 512, 512), jnp.int32),
            pltpu.VMEM((2 * K,), jnp.float32),
            pltpu.VMEM((L,), jnp.float32),
            pltpu.SemaphoreType.DMA,
            pltpu.SemaphoreType.DMA,
            pltpu.SemaphoreType.DMA,
            pltpu.SemaphoreType.DMA,
        ],
    )
    return k(logits, labels)


def kernel(input, target):
    logits = jnp.squeeze(input, axis=1)
    labels = jnp.squeeze(target, axis=1)
    per_image = _lovasz_sc(logits, labels)
    return jnp.mean(per_image[:, 0])

# --- scband reference (transcript-rebuilt; emitter-appended) ---
"""Pipeline reference for scband-lovasz-hinge-loss-32641751449932 (READ-ONLY COPY).

The authoritative reference and input builder live on the scoring server;
editing this copy changes nothing except your own understanding.
"""

import jax, jax.numpy as jnp
import numpy as np


def lovasz_grad(gt_sorted):
    # gt_sorted: float [P] of 0/1 labels sorted by descending error
    gts = jnp.sum(gt_sorted)
    intersection = gts - jnp.cumsum(gt_sorted)
    union = gts + jnp.cumsum(1.0 - gt_sorted)
    jaccard = 1.0 - intersection / union
    # jaccard[1:] = jaccard[1:] - jaccard[:-1]
    jaccard = jnp.concatenate([jaccard[:1], jaccard[1:] - jaccard[:-1]])
    return jaccard


def lovasz_hinge_flat(logits, labels):
    # logits: float [P], labels: float [P] in {0,1}
    signs = 2.0 * labels - 1.0
    errors = 1.0 - logits * signs
    perm = jnp.argsort(-errors)  # descending sort of errors
    errors_sorted = errors[perm]
    gt_sorted = labels[perm]
    grad = jax.lax.stop_gradient(lovasz_grad(gt_sorted))
    return jnp.dot(jax.nn.relu(errors_sorted), grad)


def setup_inputs(seed: int = 0) -> dict:
    key = jax.random.key(seed)
    k1, k2 = jax.random.split(key)
    inp = jax.random.normal(k1, (32, 1, 512, 512), dtype=jnp.float32)
    target = jax.random.randint(k2, (32, 1, 512, 512), 0, 2).astype(jnp.int32)
    return {"input": inp, "target": target}


def reference(input, target):
    # squeeze channel dim, flatten per image, lovasz hinge per image, mean over images
    B = input.shape[0]
    logits = jnp.squeeze(input, axis=1).reshape(B, -1)
    labels = jnp.squeeze(target, axis=1).reshape(B, -1).astype(jnp.float32)
    losses = jax.vmap(lovasz_hinge_flat)(logits, labels)
    return jnp.mean(losses)

if __name__ == "__main__":
    import jax
    _d = setup_inputs()
    print(jax.jit(kernel)(*tuple(_d.values())))

</pallas_src>

<mosaic_0001>
#map = affine_map<(d0, d1) -> (0, 0, 0)>
#map1 = affine_map<(d0, d1) -> (0, 0)>
module attributes {stable_mosaic.version = 14 : i64} {
  func.func @_body(%arg0: i32, %arg1: i32, %arg2: memref<32x512x512xf32, #tpu.memory_space<hbm>>, %arg3: memref<32x512x512xi32, #tpu.memory_space<hbm>>, %arg4: memref<32x16xf32, #tpu.memory_space<hbm>>, %arg5: memref<16x512xf32, #tpu.memory_space<vmem>>, %arg6: memref<16x512xf32, #tpu.memory_space<vmem>>, %arg7: memref<16x512xi32, #tpu.memory_space<vmem>>, %arg8: memref<16x512xi32, #tpu.memory_space<vmem>>, %arg9: memref<32768xf32, #tpu.memory_space<vmem>>, %arg10: memref<16xf32, #tpu.memory_space<vmem>>, %arg11: memref<!tpu.dma_semaphore, #tpu.memory_space<semaphore_mem>>, %arg12: memref<!tpu.dma_semaphore, #tpu.memory_space<semaphore_mem>>, %arg13: memref<!tpu.dma_semaphore, #tpu.memory_space<semaphore_mem>>, %arg14: memref<!tpu.dma_semaphore, #tpu.memory_space<semaphore_mem>>) attributes {dimension_semantics = [#tpu.dimension_semantics<core_parallel>, #tpu.dimension_semantics<subcore_parallel>], iteration_bounds = array<i64: 2, 16>, scalar_prefetch = 0 : i64, scratch_operands = 10 : i64, tpu.core_type = #tpu.core_type<sc_vector_subcore>, window_params = [{transform_indices = #map}, {transform_indices = #map}, {transform_indices = #map1}]} {
    %mul3A = arith.constant 2 : i32
    %mul3A_0 = arith.muli %arg1, %mul3A : i32
    %add3A = arith.addi %mul3A_0, %arg0 : i32
    %broadcast_in_dim3A = arith.constant 0.000000e+00 : f32
    %broadcast_in_dim3A_1 = vector.broadcast %broadcast_in_dim3A : f32 to vector<16xf32>
    %parallel_loop3A = arith.constant 0 : i32
    %parallel_loop3A_2 = arith.constant 2048 : i32
    %parallel_loop3A_3 = arith.constant 1 : i32
    scf.for %parallel_loop3A_60 = %parallel_loop3A to %parallel_loop3A_2 step %parallel_loop3A_3  : i32 {
      %parallel_loop3A_61 = arith.constant 16 : i32
      %parallel_loop3A_62 = arith.muli %parallel_loop3A_60, %parallel_loop3A_61 : i32
      %parallel_loop3A_63 = arith.index_cast %parallel_loop3A_62 : i32 to index
      %parallel_loop3A_64 = tpu.vector_load %arg9[%parallel_loop3A_63] {strides = array<i32>} : memref<32768xf32, #tpu.memory_space<vmem>>, vector<16xf32>,
      tpu.vector_store %arg9[%parallel_loop3A_63], %broadcast_in_dim3A_1 {strides = array<i32>} : memref<32768xf32, #tpu.memory_space<vmem>>, vector<16xf32>,
    } {sc.loop_unroll_factor = 8 : i64, sc.parallel_access}
    %broadcast_in_dim3A_4 = arith.constant 1.000000e+00 : f32
    %broadcast_in_dim3A_5 = vector.broadcast %broadcast_in_dim3A_4 : f32 to vector<16xf32>
    %dma_start3A = arith.constant 0 : i32
    %dma_start3A_6 = arith.constant 0 : i32
    %dma_start3A_7 = tpu.memref_slice %arg2[%add3A, %dma_start3A, %dma_start3A_6] : memref<32x512x512xf32, #tpu.memory_space<hbm>> -> memref<1x16x512xf32, #tpu.memory_space<hbm>>
    %dma_start3A_8 = tpu.memref_squeeze %dma_start3A_7 : memref<1x16x512xf32, #tpu.memory_space<hbm>> -> memref<16x512xf32, #tpu.memory_space<hbm>>
    %dma_start3A_9 = arith.constant 0 : i32
    %dma_start3A_10 = arith.constant 0 : i32
    %dma_start3A_11 = tpu.memref_slice %arg2[%add3A, %dma_start3A_9, %dma_start3A_10] : memref<32x512x512xf32, #tpu.memory_space<hbm>> -> memref<1x16x512xf32, #tpu.memory_space<hbm>>
    %dma_start3A_12 = tpu.memref_squeeze %dma_start3A_11 : memref<1x16x512xf32, #tpu.memory_space<hbm>> -> memref<16x512xf32, #tpu.memory_space<hbm>>
    tpu.enqueue_dma source(%dma_start3A_12 : memref<16x512xf32, #tpu.memory_space<hbm>>) target(%arg5 : memref<16x512xf32, #tpu.memory_space<vmem>>) target_semaphore(%arg11 : memref<!tpu.dma_semaphore, #tpu.memory_space<semaphore_mem>>)
    %dma_start3A_13 = arith.constant 0 : i32
    %dma_start3A_14 = arith.constant 0 : i32
    %dma_start3A_15 = tpu.memref_slice %arg3[%add3A, %dma_start3A_13, %dma_start3A_14] : memref<32x512x512xi32, #tpu.memory_space<hbm>> -> memref<1x16x512xi32, #tpu.memory_space<hbm>>
    %dma_start3A_16 = tpu.memref_squeeze %dma_start3A_15 : memref<1x16x512xi32, #tpu.memory_space<hbm>> -> memref<16x512xi32, #tpu.memory_space<hbm>>
    %dma_start3A_17 = arith.constant 0 : i32
    %dma_start3A_18 = arith.constant 0 : i32
    %dma_start3A_19 = tpu.memref_slice %arg3[%add3A, %dma_start3A_17, %dma_start3A_18] : memref<32x512x512xi32, #tpu.memory_space<hbm>> -> memref<1x16x512xi32, #tpu.memory_space<hbm>>
    %dma_start3A_20 = tpu.memref_squeeze %dma_start3A_19 : memref<1x16x512xi32, #tpu.memory_space<hbm>> -> memref<16x512xi32, #tpu.memory_space<hbm>>
    tpu.enqueue_dma source(%dma_start3A_20 : memref<16x512xi32, #tpu.memory_space<hbm>>) target(%arg7 : memref<16x512xi32, #tpu.memory_space<vmem>>) target_semaphore(%arg12 : memref<!tpu.dma_semaphore, #tpu.memory_space<semaphore_mem>>)
    %scan3A = arith.constant 0 : i32
    %scan3A_21 = arith.constant 0 : i32
    %scan3A_22 = arith.constant 16 : i32
    %scan3A_23 = arith.addi %scan3A_21, %scan3A_22 : i32
    %scan3A_24 = arith.constant 1 : i32
    %scan3A_25 = scf.for %scan3A_60 = %scan3A_21 to %scan3A_23 step %scan3A_24 iter_args(%scan3A_61 = %scan3A) -> (i32)  : i32 {
      %mul3A_62 = arith.constant 2 : i32
      %mul3A_63 = arith.muli %mul3A_62, %scan3A_60 : i32
      %add3A_64 = arith.constant 1 : i32
      %add3A_65 = arith.addi %mul3A_63, %add3A_64 : i32
      %mul3A_66 = arith.constant 16 : i32
      %mul3A_67 = arith.muli %add3A_65, %mul3A_66 : i32
      %dma_start3A_68 = arith.constant 0 : i32
      %dma_start3A_69 = tpu.memref_slice %arg2[%add3A, %mul3A_67, %dma_start3A_68] : memref<32x512x512xf32, #tpu.memory_space<hbm>> -> memref<1x16x512xf32, #tpu.memory_space<hbm>>
      %dma_start3A_70 = tpu.memref_squeeze %dma_start3A_69 : memref<1x16x512xf32, #tpu.memory_space<hbm>> -> memref<16x512xf32, #tpu.memory_space<hbm>>
      %dma_start3A_71 = arith.constant 0 : i32
      %dma_start3A_72 = tpu.memref_slice %arg2[%add3A, %mul3A_67, %dma_start3A_71] : memref<32x512x512xf32, #tpu.memory_space<hbm>> -> memref<1x16x512xf32, #tpu.memory_space<hbm>>
      %dma_start3A_73 = tpu.memref_squeeze %dma_start3A_72 : memref<1x16x512xf32, #tpu.memory_space<hbm>> -> memref<16x512xf32, #tpu.memory_space<hbm>>
      tpu.enqueue_dma source(%dma_start3A_73 : memref<16x512xf32, #tpu.memory_space<hbm>>) target(%arg6 : memref<16x512xf32, #tpu.memory_space<vmem>>) target_semaphore(%arg13 : memref<!tpu.dma_semaphore, #tpu.memory_space<semaphore_mem>>)
      %dma_start3A_74 = arith.constant 0 : i32
      %dma_start3A_75 = tpu.memref_slice %arg3[%add3A, %mul3A_67, %dma_start3A_74] : memref<32x512x512xi32, #tpu.memory_space<hbm>> -> memref<1x16x512xi32, #tpu.memory_space<hbm>>
      %dma_start3A_76 = tpu.memref_squeeze %dma_start3A_75 : memref<1x16x512xi32, #tpu.memory_space<hbm>> -> memref<16x512xi32, #tpu.memory_space<hbm>>
      %dma_start3A_77 = arith.constant 0 : i32
      %dma_start3A_78 = tpu.memref_slice %arg3[%add3A, %mul3A_67, %dma_start3A_77] : memref<32x512x512xi32, #tpu.memory_space<hbm>> -> memref<1x16x512xi32, #tpu.memory_space<hbm>>
      %dma_start3A_79 = tpu.memref_squeeze %dma_start3A_78 : memref<1x16x512xi32, #tpu.memory_space<hbm>> -> memref<16x512xi32, #tpu.memory_space<hbm>>
      tpu.enqueue_dma source(%dma_start3A_79 : memref<16x512xi32, #tpu.memory_space<hbm>>) target(%arg8 : memref<16x512xi32, #tpu.memory_space<vmem>>) target_semaphore(%arg14 : memref<!tpu.dma_semaphore, #tpu.memory_space<semaphore_mem>>)
      %mul3A_80 = arith.constant 16 : i32
      %mul3A_81 = arith.muli %mul3A_63, %mul3A_80 : i32
      %dma_wait3A = arith.constant 0 : i32
      %dma_wait3A_82 = tpu.memref_slice %arg2[%add3A, %mul3A_81, %dma_wait3A] : memref<32x512x512xf32, #tpu.memory_space<hbm>> -> memref<1x16x512xf32, #tpu.memory_space<hbm>>
      %dma_wait3A_83 = tpu.memref_squeeze %dma_wait3A_82 : memref<1x16x512xf32, #tpu.memory_space<hbm>> -> memref<16x512xf32, #tpu.memory_space<hbm>>
      %dma_wait3A_84 = arith.constant 0 : i32
      %dma_wait3A_85 = tpu.memref_slice %arg2[%add3A, %mul3A_81, %dma_wait3A_84] : memref<32x512x512xf32, #tpu.memory_space<hbm>> -> memref<1x16x512xf32, #tpu.memory_space<hbm>>
      %dma_wait3A_86 = tpu.memref_squeeze %dma_wait3A_85 : memref<1x16x512xf32, #tpu.memory_space<hbm>> -> memref<16x512xf32, #tpu.memory_space<hbm>>
      tpu.wait_dma2 semaphore(%arg11 : memref<!tpu.dma_semaphore, #tpu.memory_space<semaphore_mem>>) src(%dma_wait3A_86 : memref<16x512xf32, #tpu.memory_space<hbm>>) dst(%arg5 : memref<16x512xf32, #tpu.memory_space<vmem>>)
      %dma_wait3A_87 = arith.constant 0 : i32
      %dma_wait3A_88 = tpu.memref_slice %arg3[%add3A, %mul3A_81, %dma_wait3A_87] : memref<32x512x512xi32, #tpu.memory_space<hbm>> -> memref<1x16x512xi32, #tpu.memory_space<hbm>>
      %dma_wait3A_89 = tpu.memref_squeeze %dma_wait3A_88 : memref<1x16x512xi32, #tpu.memory_space<hbm>> -> memref<16x512xi32, #tpu.memory_space<hbm>>
      %dma_wait3A_90 = arith.constant 0 : i32
      %dma_wait3A_91 = tpu.memref_slice %arg3[%add3A, %mul3A_81, %dma_wait3A_90] : memref<32x512x512xi32, #tpu.memory_space<hbm>> -> memref<1x16x512xi32, #tpu.memory_space<hbm>>
      %dma_wait3A_92 = tpu.memref_squeeze %dma_wait3A_91 : memref<1x16x512xi32, #tpu.memory_space<hbm>> -> memref<16x512xi32, #tpu.memory_space<hbm>>
      tpu.wait_dma2 semaphore(%arg12 : memref<!tpu.dma_semaphore, #tpu.memory_space<semaphore_mem>>) src(%dma_wait3A_92 : memref<16x512xi32, #tpu.memory_space<hbm>>) dst(%arg7 : memref<16x512xi32, #tpu.memory_space<vmem>>)
      %parallel_loop3A_93 = arith.constant 0 : i32
      %parallel_loop3A_94 = arith.constant 512 : i32
      %parallel_loop3A_95 = arith.constant 1 : i32
      scf.for %parallel_loop3A_119 = %parallel_loop3A_93 to %parallel_loop3A_94 step %parallel_loop3A_95  : i32 {
        %parallel_loop3A_120 = arith.constant 5 : i32
        %parallel_loop3A_121 = arith.shrsi %parallel_loop3A_119, %parallel_loop3A_120 : i32
        %parallel_loop3A_122 = arith.constant 31 : i32
        %parallel_loop3A_123 = arith.andi %parallel_loop3A_119, %parallel_loop3A_122 : i32
        %parallel_loop3A_124 = arith.constant 16 : i32
        %parallel_loop3A_125 = arith.muli %parallel_loop3A_123, %parallel_loop3A_124 : i32
        %parallel_loop3A_126 = arith.index_cast %parallel_loop3A_121 : i32 to index
        %parallel_loop3A_127 = arith.index_cast %parallel_loop3A_125 : i32 to index
        %parallel_loop3A_128 = tpu.vector_load %arg5[%parallel_loop3A_126, %parallel_loop3A_127] {strides = array<i32>} : memref<16x512xf32, #tpu.memory_space<vmem>>, vector<16xf32>,
        %parallel_loop3A_129 = arith.index_cast %parallel_loop3A_121 : i32 to index
        %parallel_loop3A_130 = arith.index_cast %parallel_loop3A_125 : i32 to index
        %parallel_loop3A_131 = tpu.vector_load %arg7[%parallel_loop3A_129, %parallel_loop3A_130] {strides = array<i32>} : memref<16x512xi32, #tpu.memory_space<vmem>>, vector<16xi32>,
        %parallel_loop3A_132 = arith.constant 1.024000e+03 : f32
        %parallel_loop3A_133 = vector.broadcast %parallel_loop3A_132 : f32 to vector<16xf32>
        %parallel_loop3A_134 = arith.mulf %parallel_loop3A_128, %parallel_loop3A_133 : vector<16xf32>
        %parallel_loop3A_135 = arith.constant 0 : i32
        %parallel_loop3A_136 = vector.broadcast %parallel_loop3A_135 : i32 to vector<16xi32>
        %parallel_loop3A_137 = arith.cmpi sgt, %parallel_loop3A_131, %parallel_loop3A_136 : vector<16xi32>
        %parallel_loop3A_138 = arith.constant 0.000000e+00 : f32
        %parallel_loop3A_139 = vector.broadcast %parallel_loop3A_138 : f32 to vector<16xf32>
        %parallel_loop3A_140 = arith.subf %parallel_loop3A_139, %parallel_loop3A_134 : vector<16xf32>
        %parallel_loop3A_141 = arith.select %parallel_loop3A_137, %parallel_loop3A_140, %parallel_loop3A_134 : vector<16xi1>, vector<16xf32>
        %parallel_loop3A_142 = arith.constant 0x4B000400 : f32
        %parallel_loop3A_143 = vector.broadcast %parallel_loop3A_142 : f32 to vector<16xf32>
        %parallel_loop3A_144 = arith.addf %parallel_loop3A_141, %parallel_loop3A_143 : vector<16xf32>
        %parallel_loop3A_145 = vector.bitcast %parallel_loop3A_144 : vector<16xf32> to vector<16xi32>
        %parallel_loop3A_146 = arith.constant 1258307583 : i32
        %parallel_loop3A_147 = vector.broadcast %parallel_loop3A_146 : i32 to vector<16xi32>
        %parallel_loop3A_148 = arith.subi %parallel_loop3A_147, %parallel_loop3A_145 : vector<16xi32>
        %parallel_loop3A_149 = arith.constant 16383 : i32
        %parallel_loop3A_150 = vector.broadcast %parallel_loop3A_149 : i32 to vector<16xi32>
        %parallel_loop3A_151 = arith.minsi %parallel_loop3A_148, %parallel_loop3A_150 : vector<16xi32>
        %parallel_loop3A_152 = arith.constant 0 : i32
        %parallel_loop3A_153 = vector.broadcast %parallel_loop3A_152 : i32 to vector<16xi32>
        %parallel_loop3A_154 = arith.maxsi %parallel_loop3A_151, %parallel_loop3A_153 : vector<16xi32>
        %parallel_loop3A_155 = arith.constant 16384 : i32
        %parallel_loop3A_156 = vector.broadcast %parallel_loop3A_155 : i32 to vector<16xi32>
        %parallel_loop3A_157 = arith.muli %parallel_loop3A_131, %parallel_loop3A_156 : vector<16xi32>
        %parallel_loop3A_158 = arith.addi %parallel_loop3A_154, %parallel_loop3A_157 : vector<16xi32>
        tpu.vector_store_idx %arg9[%parallel_loop3A_158], %broadcast_in_dim3A_5 {add = true} : memref<32768xf32, #tpu.memory_space<vmem>>[vector<16xi32>], vector<16xf32>,
      } {sc.loop_unroll_factor = 8 : i64, sc.parallel_access}
      %lt3A_96 = arith.constant 15 : i32
      %lt3A_97 = arith.cmpi slt, %scan3A_60, %lt3A_96 : i32
      %convert_element_type3A = arith.extui %lt3A_97 : i1 to i32
      %cond3A = arith.constant 0 : i32
      %cond3A_98 = arith.cmpi ne, %convert_element_type3A, %cond3A : i32
      scf.if %cond3A_98 {
        %add3A_119 = arith.constant 2 : i32
        %add3A_120 = arith.addi %mul3A_63, %add3A_119 : i32
        %mul3A_121 = arith.constant 16 : i32
        %mul3A_122 = arith.muli %add3A_120, %mul3A_121 : i32
        %dma_start3A_123 = arith.constant 0 : i32
        %dma_start3A_124 = tpu.memref_slice %arg2[%add3A, %mul3A_122, %dma_start3A_123] : memref<32x512x512xf32, #tpu.memory_space<hbm>> -> memref<1x16x512xf32, #tpu.memory_space<hbm>>
        %dma_start3A_125 = tpu.memref_squeeze %dma_start3A_124 : memref<1x16x512xf32, #tpu.memory_space<hbm>> -> memref<16x512xf32, #tpu.memory_space<hbm>>
        %dma_start3A_126 = arith.constant 0 : i32
        %dma_start3A_127 = tpu.memref_slice %arg2[%add3A, %mul3A_122, %dma_start3A_126] : memref<32x512x512xf32, #tpu.memory_space<hbm>> -> memref<1x16x512xf32, #tpu.memory_space<hbm>>
        %dma_start3A_128 = tpu.memref_squeeze %dma_start3A_127 : memref<1x16x512xf32, #tpu.memory_space<hbm>> -> memref<16x512xf32, #tpu.memory_space<hbm>>
        tpu.enqueue_dma source(%dma_start3A_128 : memref<16x512xf32, #tpu.memory_space<hbm>>) target(%arg5 : memref<16x512xf32, #tpu.memory_space<vmem>>) target_semaphore(%arg11 : memref<!tpu.dma_semaphore, #tpu.memory_space<semaphore_mem>>)
        %dma_start3A_129 = arith.constant 0 : i32
        %dma_start3A_130 = tpu.memref_slice %arg3[%add3A, %mul3A_122, %dma_start3A_129] : memref<32x512x512xi32, #tpu.memory_space<hbm>> -> memref<1x16x512xi32, #tpu.memory_space<hbm>>
        %dma_start3A_131 = tpu.memref_squeeze %dma_start3A_130 : memref<1x16x512xi32, #tpu.memory_space<hbm>> -> memref<16x512xi32, #tpu.memory_space<hbm>>
        %dma_start3A_132 = arith.constant 0 : i32
        %dma_start3A_133 = tpu.memref_slice %arg3[%add3A, %mul3A_122, %dma_start3A_132] : memref<32x512x512xi32, #tpu.memory_space<hbm>> -> memref<1x16x512xi32, #tpu.memory_space<hbm>>
        %dma_start3A_134 = tpu.memref_squeeze %dma_start3A_133 : memref<1x16x512xi32, #tpu.memory_space<hbm>> -> memref<16x512xi32, #tpu.memory_space<hbm>>
        tpu.enqueue_dma source(%dma_start3A_134 : memref<16x512xi32, #tpu.memory_space<hbm>>) target(%arg7 : memref<16x512xi32, #tpu.memory_space<vmem>>) target_semaphore(%arg12 : memref<!tpu.dma_semaphore, #tpu.memory_space<semaphore_mem>>)
      } else {
      }
      %add3A_99 = arith.constant 1 : i32
      %add3A_100 = arith.addi %mul3A_63, %add3A_99 : i32
      %mul3A_101 = arith.constant 16 : i32
      %mul3A_102 = arith.muli %add3A_100, %mul3A_101 : i32
      %dma_wait3A_103 = arith.constant 0 : i32
      %dma_wait3A_104 = tpu.memref_slice %arg2[%add3A, %mul3A_102, %dma_wait3A_103] : memref<32x512x512xf32, #tpu.memory_space<hbm>> -> memref<1x16x512xf32, #tpu.memory_space<hbm>>
      %dma_wait3A_105 = tpu.memref_squeeze %dma_wait3A_104 : memref<1x16x512xf32, #tpu.memory_space<hbm>> -> memref<16x512xf32, #tpu.memory_space<hbm>>
      %dma_wait3A_106 = arith.constant 0 : i32
      %dma_wait3A_107 = tpu.memref_slice %arg2[%add3A, %mul3A_102, %dma_wait3A_106] : memref<32x512x512xf32, #tpu.memory_space<hbm>> -> memref<1x16x512xf32, #tpu.memory_space<hbm>>
      %dma_wait3A_108 = tpu.memref_squeeze %dma_wait3A_107 : memref<1x16x512xf32, #tpu.memory_space<hbm>> -> memref<16x512xf32, #tpu.memory_space<hbm>>
      tpu.wait_dma2 semaphore(%arg13 : memref<!tpu.dma_semaphore, #tpu.memory_space<semaphore_mem>>) src(%dma_wait3A_108 : memref<16x512xf32, #tpu.memory_space<hbm>>) dst(%arg6 : memref<16x512xf32, #tpu.memory_space<vmem>>)
      %dma_wait3A_109 = arith.constant 0 : i32
      %dma_wait3A_110 = tpu.memref_slice %arg3[%add3A, %mul3A_102, %dma_wait3A_109] : memref<32x512x512xi32, #tpu.memory_space<hbm>> -> memref<1x16x512xi32, #tpu.memory_space<hbm>>
      %dma_wait3A_111 = tpu.memref_squeeze %dma_wait3A_110 : memref<1x16x512xi32, #tpu.memory_space<hbm>> -> memref<16x512xi32, #tpu.memory_space<hbm>>
      %dma_wait3A_112 = arith.constant 0 : i32
      %dma_wait3A_113 = tpu.memref_slice %arg3[%add3A, %mul3A_102, %dma_wait3A_112] : memref<32x512x512xi32, #tpu.memory_space<hbm>> -> memref<1x16x512xi32, #tpu.memory_space<hbm>>
      %dma_wait3A_114 = tpu.memref_squeeze %dma_wait3A_113 : memref<1x16x512xi32, #tpu.memory_space<hbm>> -> memref<16x512xi32, #tpu.memory_space<hbm>>
      tpu.wait_dma2 semaphore(%arg14 : memref<!tpu.dma_semaphore, #tpu.memory_space<semaphore_mem>>) src(%dma_wait3A_114 : memref<16x512xi32, #tpu.memory_space<hbm>>) dst(%arg8 : memref<16x512xi32, #tpu.memory_space<vmem>>)
      %parallel_loop3A_115 = arith.constant 0 : i32
      %parallel_loop3A_116 = arith.constant 512 : i32
      %parallel_loop3A_117 = arith.constant 1 : i32
      scf.for %parallel_loop3A_119 = %parallel_loop3A_115 to %parallel_loop3A_116 step %parallel_loop3A_117  : i32 {
        %parallel_loop3A_120 = arith.constant 5 : i32
        %parallel_loop3A_121 = arith.shrsi %parallel_loop3A_119, %parallel_loop3A_120 : i32
        %parallel_loop3A_122 = arith.constant 31 : i32
        %parallel_loop3A_123 = arith.andi %parallel_loop3A_119, %parallel_loop3A_122 : i32
        %parallel_loop3A_124 = arith.constant 16 : i32
        %parallel_loop3A_125 = arith.muli %parallel_loop3A_123, %parallel_loop3A_124 : i32
        %parallel_loop3A_126 = arith.index_cast %parallel_loop3A_121 : i32 to index
        %parallel_loop3A_127 = arith.index_cast %parallel_loop3A_125 : i32 to index
        %parallel_loop3A_128 = tpu.vector_load %arg6[%parallel_loop3A_126, %parallel_loop3A_127] {strides = array<i32>} : memref<16x512xf32, #tpu.memory_space<vmem>>, vector<16xf32>,
        %parallel_loop3A_129 = arith.index_cast %parallel_loop3A_121 : i32 to index
        %parallel_loop3A_130 = arith.index_cast %parallel_loop3A_125 : i32 to index
        %parallel_loop3A_131 = tpu.vector_load %arg8[%parallel_loop3A_129, %parallel_loop3A_130] {strides = array<i32>} : memref<16x512xi32, #tpu.memory_space<vmem>>, vector<16xi32>,
        %parallel_loop3A_132 = arith.constant 1.024000e+03 : f32
        %parallel_loop3A_133 = vector.broadcast %parallel_loop3A_132 : f32 to vector<16xf32>
        %parallel_loop3A_134 = arith.mulf %parallel_loop3A_128, %parallel_loop3A_133 : vector<16xf32>
        %parallel_loop3A_135 = arith.constant 0 : i32
        %parallel_loop3A_136 = vector.broadcast %parallel_loop3A_135 : i32 to vector<16xi32>
        %parallel_loop3A_137 = arith.cmpi sgt, %parallel_loop3A_131, %parallel_loop3A_136 : vector<16xi32>
        %parallel_loop3A_138 = arith.constant 0.000000e+00 : f32
        %parallel_loop3A_139 = vector.broadcast %parallel_loop3A_138 : f32 to vector<16xf32>
        %parallel_loop3A_140 = arith.subf %parallel_loop3A_139, %parallel_loop3A_134 : vector<16xf32>
        %parallel_loop3A_141 = arith.select %parallel_loop3A_137, %parallel_loop3A_140, %parallel_loop3A_134 : vector<16xi1>, vector<16xf32>
        %parallel_loop3A_142 = arith.constant 0x4B000400 : f32
        %parallel_loop3A_143 = vector.broadcast %parallel_loop3A_142 : f32 to vector<16xf32>
        %parallel_loop3A_144 = arith.addf %parallel_loop3A_141, %parallel_loop3A_143 : vector<16xf32>
        %parallel_loop3A_145 = vector.bitcast %parallel_loop3A_144 : vector<16xf32> to vector<16xi32>
        %parallel_loop3A_146 = arith.constant 1258307583 : i32
        %parallel_loop3A_147 = vector.broadcast %parallel_loop3A_146 : i32 to vector<16xi32>
        %parallel_loop3A_148 = arith.subi %parallel_loop3A_147, %parallel_loop3A_145 : vector<16xi32>
        %parallel_loop3A_149 = arith.constant 16383 : i32
        %parallel_loop3A_150 = vector.broadcast %parallel_loop3A_149 : i32 to vector<16xi32>
        %parallel_loop3A_151 = arith.minsi %parallel_loop3A_148, %parallel_loop3A_150 : vector<16xi32>
        %parallel_loop3A_152 = arith.constant 0 : i32
        %parallel_loop3A_153 = vector.broadcast %parallel_loop3A_152 : i32 to vector<16xi32>
        %parallel_loop3A_154 = arith.maxsi %parallel_loop3A_151, %parallel_loop3A_153 : vector<16xi32>
        %parallel_loop3A_155 = arith.constant 16384 : i32
        %parallel_loop3A_156 = vector.broadcast %parallel_loop3A_155 : i32 to vector<16xi32>
        %parallel_loop3A_157 = arith.muli %parallel_loop3A_131, %parallel_loop3A_156 : vector<16xi32>
        %parallel_loop3A_158 = arith.addi %parallel_loop3A_154, %parallel_loop3A_157 : vector<16xi32>
        tpu.vector_store_idx %arg9[%parallel_loop3A_158], %broadcast_in_dim3A_5 {add = true} : memref<32768xf32, #tpu.memory_space<vmem>>[vector<16xi32>], vector<16xf32>,
      } {sc.loop_unroll_factor = 8 : i64, sc.parallel_access}
      %scan3A_118 = arith.constant 0 : i32
      scf.yield %scan3A_118 : i32
    }
    %scan3A_26 = arith.constant 16 : i32
    %broadcast_in_dim3A_27 = arith.constant 0.000000e+00 : f32
    %broadcast_in_dim3A_28 = vector.broadcast %broadcast_in_dim3A_27 : f32 to vector<16xf32>
    %scan3A_29 = arith.constant 0 : i32
    %scan3A_30 = arith.constant 1024 : i32
    %scan3A_31 = arith.addi %scan3A_29, %scan3A_30 : i32
    %scan3A_32 = arith.constant 8 : i32
    %scan3A_33 = scf.for %scan3A_60 = %scan3A_29 to %scan3A_31 step %scan3A_32 iter_args(%scan3A_61 = %broadcast_in_dim3A_28) -> (vector<16xf32>)  : i32 {
      %mul3A_62 = arith.constant 16 : i32
      %mul3A_63 = arith.muli %scan3A_60, %mul3A_62 : i32
      %add3A_64 = arith.constant 16384 : i32
      %add3A_65 = arith.addi %add3A_64, %mul3A_63 : i32
      %get3A = arith.index_cast %add3A_65 : i32 to index
      %get3A_66 = tpu.vector_load %arg9[%get3A] {strides = array<i32>} : memref<32768xf32, #tpu.memory_space<vmem>>, vector<16xf32>,
      %add3A_67 = arith.addf %scan3A_61, %get3A_66 : vector<16xf32>
      %scan3A_68 = arith.constant 1 : i32
      %scan3A_69 = arith.addi %scan3A_60, %scan3A_68 : i32
      %mul3A_70 = arith.constant 16 : i32
      %mul3A_71 = arith.muli %scan3A_69, %mul3A_70 : i32
      %add3A_72 = arith.constant 16384 : i32
      %add3A_73 = arith.addi %add3A_72, %mul3A_71 : i32
      %get3A_74 = arith.index_cast %add3A_73 : i32 to index
      %get3A_75 = tpu.vector_load %arg9[%get3A_74] {strides = array<i32>} : memref<32768xf32, #tpu.memory_space<vmem>>, vector<16xf32>,
      %add3A_76 = arith.addf %add3A_67, %get3A_75 : vector<16xf32>
      %scan3A_77 = arith.constant 2 : i32
      %scan3A_78 = arith.addi %scan3A_60, %scan3A_77 : i32
      %mul3A_79 = arith.constant 16 : i32
      %mul3A_80 = arith.muli %scan3A_78, %mul3A_79 : i32
      %add3A_81 = arith.constant 16384 : i32
      %add3A_82 = arith.addi %add3A_81, %mul3A_80 : i32
      %get3A_83 = arith.index_cast %add3A_82 : i32 to index
      %get3A_84 = tpu.vector_load %arg9[%get3A_83] {strides = array<i32>} : memref<32768xf32, #tpu.memory_space<vmem>>, vector<16xf32>,
      %add3A_85 = arith.addf %add3A_76, %get3A_84 : vector<16xf32>
      %scan3A_86 = arith.constant 3 : i32
      %scan3A_87 = arith.addi %scan3A_60, %scan3A_86 : i32
      %mul3A_88 = arith.constant 16 : i32
      %mul3A_89 = arith.muli %scan3A_87, %mul3A_88 : i32
      %add3A_90 = arith.constant 16384 : i32
      %add3A_91 = arith.addi %add3A_90, %mul3A_89 : i32
      %get3A_92 = arith.index_cast %add3A_91 : i32 to index
      %get3A_93 = tpu.vector_load %arg9[%get3A_92] {strides = array<i32>} : memref<32768xf32, #tpu.memory_space<vmem>>, vector<16xf32>,
      %add3A_94 = arith.addf %add3A_85, %get3A_93 : vector<16xf32>
      %scan3A_95 = arith.constant 4 : i32
      %scan3A_96 = arith.addi %scan3A_60, %scan3A_95 : i32
      %mul3A_97 = arith.constant 16 : i32
      %mul3A_98 = arith.muli %scan3A_96, %mul3A_97 : i32
      %add3A_99 = arith.constant 16384 : i32
      %add3A_100 = arith.addi %add3A_99, %mul3A_98 : i32
      %get3A_101 = arith.index_cast %add3A_100 : i32 to index
      %get3A_102 = tpu.vector_load %arg9[%get3A_101] {strides = array<i32>} : memref<32768xf32, #tpu.memory_space<vmem>>, vector<16xf32>,
      %add3A_103 = arith.addf %add3A_94, %get3A_102 : vector<16xf32>
      %scan3A_104 = arith.constant 5 : i32
      %scan3A_105 = arith.addi %scan3A_60, %scan3A_104 : i32
      %mul3A_106 = arith.constant 16 : i32
      %mul3A_107 = arith.muli %scan3A_105, %mul3A_106 : i32
      %add3A_108 = arith.constant 16384 : i32
      %add3A_109 = arith.addi %add3A_108, %mul3A_107 : i32
      %get3A_110 = arith.index_cast %add3A_109 : i32 to index
      %get3A_111 = tpu.vector_load %arg9[%get3A_110] {strides = array<i32>} : memref<32768xf32, #tpu.memory_space<vmem>>, vector<16xf32>,
      %add3A_112 = arith.addf %add3A_103, %get3A_111 : vector<16xf32>
      %scan3A_113 = arith.constant 6 : i32
      %scan3A_114 = arith.addi %scan3A_60, %scan3A_113 : i32
      %mul3A_115 = arith.constant 16 : i32
      %mul3A_116 = arith.muli %scan3A_114, %mul3A_115 : i32
      %add3A_117 = arith.constant 16384 : i32
      %add3A_118 = arith.addi %add3A_117, %mul3A_116 : i32
      %get3A_119 = arith.index_cast %add3A_118 : i32 to index
      %get3A_120 = tpu.vector_load %arg9[%get3A_119] {strides = array<i32>} : memref<32768xf32, #tpu.memory_space<vmem>>, vector<16xf32>,
      %add3A_121 = arith.addf %add3A_112, %get3A_120 : vector<16xf32>
      %scan3A_122 = arith.constant 7 : i32
      %scan3A_123 = arith.addi %scan3A_60, %scan3A_122 : i32
      %mul3A_124 = arith.constant 16 : i32
      %mul3A_125 = arith.muli %scan3A_123, %mul3A_124 : i32
      %add3A_126 = arith.constant 16384 : i32
      %add3A_127 = arith.addi %add3A_126, %mul3A_125 : i32
      %get3A_128 = arith.index_cast %add3A_127 : i32 to index
      %get3A_129 = tpu.vector_load %arg9[%get3A_128] {strides = array<i32>} : memref<32768xf32, #tpu.memory_space<vmem>>, vector<16xf32>,
      %add3A_130 = arith.addf %add3A_121, %get3A_129 : vector<16xf32>
      scf.yield %add3A_130 : vector<16xf32>
    }
    %scan3A_34 = arith.constant 1024 : i32
    %reduce_sum3A = arith.constant true
    %reduce_sum3A_35 = vector.broadcast %reduce_sum3A : i1 to vector<16xi1>
    %reduce_sum3A_36 = tpu.scan <sum>, %scan3A_33 masked %reduce_sum3A_35 : vector<16xf32>, vector<16xi1> -> vector<16xf32>
    %reduce_sum3A_37 = vector.extract %reduce_sum3A_36[15] : f32 from vector<16xf32>
    %iota3A = tpu.iota {dimensions = array<i32: 0>} : vector<16xi32>
    %lt3A = arith.constant 15 : i32
    %lt3A_38 = vector.broadcast %lt3A : i32 to vector<16xi32>
    %lt3A_39 = arith.cmpi slt, %iota3A, %lt3A_38 : vector<16xi32>
    %broadcast_in_dim3A_40 = arith.constant 0.000000e+00 : f32
    %broadcast_in_dim3A_41 = vector.broadcast %broadcast_in_dim3A_40 : f32 to vector<16xf32>
    %scan3A_42 = arith.constant 0.000000e+00 : f32
    %scan3A_43 = arith.constant 0.000000e+00 : f32
    %scan3A_44 = arith.constant 0 : i32
    %scan3A_45 = arith.constant 1024 : i32
    %scan3A_46 = arith.addi %scan3A_44, %scan3A_45 : i32
    %scan3A_47 = arith.constant 2 : i32
    %scan3A_48:3 = scf.for %scan3A_60 = %scan3A_44 to %scan3A_46 step %scan3A_47 iter_args(%scan3A_61 = %scan3A_42, %scan3A_62 = %scan3A_43, %scan3A_63 = %broadcast_in_dim3A_41) -> (f32, f32, vector<16xf32>)  : i32 {
      %mul3A_64 = arith.constant 16 : i32
      %mul3A_65 = arith.muli %scan3A_60, %mul3A_64 : i32
      %add3A_66 = arith.constant 16384 : i32
      %add3A_67 = arith.addi %add3A_66, %mul3A_65 : i32
      %get3A = arith.index_cast %add3A_67 : i32 to index
      %get3A_68 = tpu.vector_load %arg9[%get3A] {strides = array<i32>} : memref<32768xf32, #tpu.memory_space<vmem>>, vector<16xf32>,
      %get3A_69 = arith.index_cast %mul3A_65 : i32 to index
      %get3A_70 = tpu.vector_load %arg9[%get3A_69] {strides = array<i32>} : memref<32768xf32, #tpu.memory_space<vmem>>, vector<16xf32>,
      %broadcast_in_dim3A_71 = arith.constant true
      %broadcast_in_dim3A_72 = vector.broadcast %broadcast_in_dim3A_71 : i1 to vector<16xi1>
      %masked_cumsum3A = tpu.scan <sum>, %get3A_68 masked %broadcast_in_dim3A_72 : vector<16xf32>, vector<16xi1> -> vector<16xf32>
      %add3A_73 = vector.broadcast %scan3A_61 : f32 to vector<16xf32>
      %add3A_74 = arith.addf %add3A_73, %masked_cumsum3A : vector<16xf32>
      %broadcast_in_dim3A_75 = arith.constant true
      %broadcast_in_dim3A_76 = vector.broadcast %broadcast_in_dim3A_75 : i1 to vector<16xi1>
      %masked_cumsum3A_77 = tpu.scan <sum>, %get3A_70 masked %broadcast_in_dim3A_76 : vector<16xf32>, vector<16xi1> -> vector<16xf32>
      %add3A_78 = vector.broadcast %scan3A_62 : f32 to vector<16xf32>
      %add3A_79 = arith.addf %add3A_78, %masked_cumsum3A_77 : vector<16xf32>
      %add3A_80 = vector.broadcast %reduce_sum3A_37 : f32 to vector<16xf32>
      %add3A_81 = arith.addf %add3A_80, %add3A_79 : vector<16xf32>
      %gt3A = arith.constant 0.000000e+00 : f32
      %gt3A_82 = vector.broadcast %gt3A : f32 to vector<16xf32>
      %gt3A_83 = arith.cmpf ogt, %add3A_81, %gt3A_82 : vector<16xf32>
      %sub3A = vector.broadcast %reduce_sum3A_37 : f32 to vector<16xf32>
      %sub3A_84 = arith.subf %sub3A, %add3A_74 : vector<16xf32>
      %gt3A_85 = arith.constant 0.000000e+00 : f32
      %gt3A_86 = vector.broadcast %gt3A_85 : f32 to vector<16xf32>
      %gt3A_87 = arith.cmpf ogt, %add3A_81, %gt3A_86 : vector<16xf32>
      %jit3A = arith.constant 1.000000e+00 : f32
      %broadcast_in_dim3A_88 = vector.broadcast %jit3A : f32 to vector<16xf32>
      %select_n3A = arith.select %gt3A_87, %add3A_81, %broadcast_in_dim3A_88 : vector<16xi1>, vector<16xf32>
      %div3A = arith.divf %sub3A_84, %select_n3A : vector<16xf32>
      %sub3A_89 = arith.constant 1.000000e+00 : f32
      %sub3A_90 = vector.broadcast %sub3A_89 : f32 to vector<16xf32>
      %sub3A_91 = arith.subf %sub3A_90, %div3A : vector<16xf32>
      %jit3A_92 = arith.constant 0.000000e+00 : f32
      %broadcast_in_dim3A_93 = vector.broadcast %jit3A_92 : f32 to vector<16xf32>
      %select_n3A_94 = arith.select %gt3A_83, %sub3A_91, %broadcast_in_dim3A_93 : vector<16xi1>, vector<16xf32>
      %lt3A_95 = arith.constant 1023 : i32
      %lt3A_96 = arith.cmpi slt, %scan3A_60, %lt3A_95 : i32
      %or3A = vector.broadcast %lt3A_96 : i1 to vector<16xi1>
      %or3A_97 = arith.ori %or3A, %lt3A_39 : vector<16xi1>
      %jit3A_98 = arith.constant 0.000000e+00 : f32
      %broadcast_in_dim3A_99 = vector.broadcast %jit3A_98 : f32 to vector<16xf32>
      %select_n3A_100 = arith.select %or3A_97, %select_n3A_94, %broadcast_in_dim3A_99 : vector<16xi1>, vector<16xf32>
      %reduce_sum3A_101 = arith.constant true
      %reduce_sum3A_102 = vector.broadcast %reduce_sum3A_101 : i1 to vector<16xi1>
      %reduce_sum3A_103 = tpu.scan <sum>, %get3A_68 masked %reduce_sum3A_102 : vector<16xf32>, vector<16xi1> -> vector<16xf32>
      %reduce_sum3A_104 = vector.extract %reduce_sum3A_103[15] : f32 from vector<16xf32>
      %add3A_105 = arith.addf %scan3A_61, %reduce_sum3A_104 : f32
      %reduce_sum3A_106 = arith.constant true
      %reduce_sum3A_107 = vector.broadcast %reduce_sum3A_106 : i1 to vector<16xi1>
      %reduce_sum3A_108 = tpu.scan <sum>, %get3A_70 masked %reduce_sum3A_107 : vector<16xf32>, vector<16xi1> -> vector<16xf32>
      %reduce_sum3A_109 = vector.extract %reduce_sum3A_108[15] : f32 from vector<16xf32>
      %add3A_110 = arith.addf %scan3A_62, %reduce_sum3A_109 : f32
      %add3A_111 = arith.addf %scan3A_63, %select_n3A_100 : vector<16xf32>
      %scan3A_112 = arith.constant 1 : i32
      %scan3A_113 = arith.addi %scan3A_60, %scan3A_112 : i32
      %mul3A_114 = arith.constant 16 : i32
      %mul3A_115 = arith.muli %scan3A_113, %mul3A_114 : i32
      %add3A_116 = arith.constant 16384 : i32
      %add3A_117 = arith.addi %add3A_116, %mul3A_115 : i32
      %get3A_118 = arith.index_cast %add3A_117 : i32 to index
      %get3A_119 = tpu.vector_load %arg9[%get3A_118] {strides = array<i32>} : memref<32768xf32, #tpu.memory_space<vmem>>, vector<16xf32>,
      %get3A_120 = arith.index_cast %mul3A_115 : i32 to index
      %get3A_121 = tpu.vector_load %arg9[%get3A_120] {strides = array<i32>} : memref<32768xf32, #tpu.memory_space<vmem>>, vector<16xf32>,
      %broadcast_in_dim3A_122 = arith.constant true
      %broadcast_in_dim3A_123 = vector.broadcast %broadcast_in_dim3A_122 : i1 to vector<16xi1>
      %masked_cumsum3A_124 = tpu.scan <sum>, %get3A_119 masked %broadcast_in_dim3A_123 : vector<16xf32>, vector<16xi1> -> vector<16xf32>
      %add3A_125 = vector.broadcast %add3A_105 : f32 to vector<16xf32>
      %add3A_126 = arith.addf %add3A_125, %masked_cumsum3A_124 : vector<16xf32>
      %broadcast_in_dim3A_127 = arith.constant true
      %broadcast_in_dim3A_128 = vector.broadcast %broadcast_in_dim3A_127 : i1 to vector<16xi1>
      %masked_cumsum3A_129 = tpu.scan <sum>, %get3A_121 masked %broadcast_in_dim3A_128 : vector<16xf32>, vector<16xi1> -> vector<16xf32>
      %add3A_130 = vector.broadcast %add3A_110 : f32 to vector<16xf32>
      %add3A_131 = arith.addf %add3A_130, %masked_cumsum3A_129 : vector<16xf32>
      %add3A_132 = vector.broadcast %reduce_sum3A_37 : f32 to vector<16xf32>
      %add3A_133 = arith.addf %add3A_132, %add3A_131 : vector<16xf32>
      %gt3A_134 = arith.constant 0.000000e+00 : f32
      %gt3A_135 = vector.broadcast %gt3A_134 : f32 to vector<16xf32>
      %gt3A_136 = arith.cmpf ogt, %add3A_133, %gt3A_135 : vector<16xf32>
      %sub3A_137 = vector.broadcast %reduce_sum3A_37 : f32 to vector<16xf32>
      %sub3A_138 = arith.subf %sub3A_137, %add3A_126 : vector<16xf32>
      %gt3A_139 = arith.constant 0.000000e+00 : f32
      %gt3A_140 = vector.broadcast %gt3A_139 : f32 to vector<16xf32>
      %gt3A_141 = arith.cmpf ogt, %add3A_133, %gt3A_140 : vector<16xf32>
      %jit3A_142 = arith.constant 1.000000e+00 : f32
      %broadcast_in_dim3A_143 = vector.broadcast %jit3A_142 : f32 to vector<16xf32>
      %select_n3A_144 = arith.select %gt3A_141, %add3A_133, %broadcast_in_dim3A_143 : vector<16xi1>, vector<16xf32>
      %div3A_145 = arith.divf %sub3A_138, %select_n3A_144 : vector<16xf32>
      %sub3A_146 = arith.constant 1.000000e+00 : f32
      %sub3A_147 = vector.broadcast %sub3A_146 : f32 to vector<16xf32>
      %sub3A_148 = arith.subf %sub3A_147, %div3A_145 : vector<16xf32>
      %jit3A_149 = arith.constant 0.000000e+00 : f32
      %broadcast_in_dim3A_150 = vector.broadcast %jit3A_149 : f32 to vector<16xf32>
      %select_n3A_151 = arith.select %gt3A_136, %sub3A_148, %broadcast_in_dim3A_150 : vector<16xi1>, vector<16xf32>
      %lt3A_152 = arith.constant 1023 : i32
      %lt3A_153 = arith.cmpi slt, %scan3A_113, %lt3A_152 : i32
      %or3A_154 = vector.broadcast %lt3A_153 : i1 to vector<16xi1>
      %or3A_155 = arith.ori %or3A_154, %lt3A_39 : vector<16xi1>
      %jit3A_156 = arith.constant 0.000000e+00 : f32
      %broadcast_in_dim3A_157 = vector.broadcast %jit3A_156 : f32 to vector<16xf32>
      %select_n3A_158 = arith.select %or3A_155, %select_n3A_151, %broadcast_in_dim3A_157 : vector<16xi1>, vector<16xf32>
      %reduce_sum3A_159 = arith.constant true
      %reduce_sum3A_160 = vector.broadcast %reduce_sum3A_159 : i1 to vector<16xi1>
      %reduce_sum3A_161 = tpu.scan <sum>, %get3A_119 masked %reduce_sum3A_160 : vector<16xf32>, vector<16xi1> -> vector<16xf32>
      %reduce_sum3A_162 = vector.extract %reduce_sum3A_161[15] : f32 from vector<16xf32>
      %add3A_163 = arith.addf %add3A_105, %reduce_sum3A_162 : f32
      %reduce_sum3A_164 = arith.constant true
      %reduce_sum3A_165 = vector.broadcast %reduce_sum3A_164 : i1 to vector<16xi1>
      %reduce_sum3A_166 = tpu.scan <sum>, %get3A_121 masked %reduce_sum3A_165 : vector<16xf32>, vector<16xi1> -> vector<16xf32>
      %reduce_sum3A_167 = vector.extract %reduce_sum3A_166[15] : f32 from vector<16xf32>
      %add3A_168 = arith.addf %add3A_110, %reduce_sum3A_167 : f32
      %add3A_169 = arith.addf %add3A_111, %select_n3A_158 : vector<16xf32>
      scf.yield %add3A_163, %add3A_168, %add3A_169 : f32, f32, vector<16xf32>
    }
    %scan3A_49 = arith.constant 1024 : i32
    %reduce_sum3A_50 = arith.constant true
    %reduce_sum3A_51 = vector.broadcast %reduce_sum3A_50 : i1 to vector<16xi1>
    %reduce_sum3A_52 = tpu.scan <sum>, %scan3A_48#2 masked %reduce_sum3A_51 : vector<16xf32>, vector<16xi1> -> vector<16xf32>
    %reduce_sum3A_53 = vector.extract %reduce_sum3A_52[15] : f32 from vector<16xf32>
    %add3A_54 = arith.constant 5.000000e-01 : f32
    %add3A_55 = arith.addf %add3A_54, %reduce_sum3A_53 : f32
    %mul3A_56 = arith.constant 9.765625E-4 : f32
    %mul3A_57 = arith.mulf %mul3A_56, %add3A_55 : f32
    %broadcast_in_dim3A_58 = vector.broadcast %mul3A_57 : f32 to vector<16xf32>
    %swap3A = arith.constant 0 : index
    %swap3A_59 = tpu.vector_load %arg10[%swap3A] {strides = array<i32>} : memref<16xf32, #tpu.memory_space<vmem>>, vector<16xf32>,
    tpu.vector_store %arg10[%swap3A], %broadcast_in_dim3A_58 {strides = array<i32>} : memref<16xf32, #tpu.memory_space<vmem>>, vector<16xf32>,
    "tpu.region"() ({
      %run_scoped3A = tpu.sem_alloc : memref<!tpu.dma_semaphore, #tpu.memory_space<semaphore_mem>>
      %dma_start3A_60 = arith.constant 0 : i32
      %dma_start3A_61 = tpu.memref_slice %arg4[%add3A, %dma_start3A_60] : memref<32x16xf32, #tpu.memory_space<hbm>> -> memref<1x16xf32, #tpu.memory_space<hbm>>
      %dma_start3A_62 = tpu.memref_squeeze %dma_start3A_61 : memref<1x16xf32, #tpu.memory_space<hbm>> -> memref<16xf32, #tpu.memory_space<hbm>>
      %dma_start3A_63 = arith.constant 0 : i32
      %dma_start3A_64 = tpu.memref_slice %arg4[%add3A, %dma_start3A_63] : memref<32x16xf32, #tpu.memory_space<hbm>> -> memref<1x16xf32, #tpu.memory_space<hbm>>
      %dma_start3A_65 = tpu.memref_squeeze %dma_start3A_64 : memref<1x16xf32, #tpu.memory_space<hbm>> -> memref<16xf32, #tpu.memory_space<hbm>>
      tpu.enqueue_dma source(%arg10 : memref<16xf32, #tpu.memory_space<vmem>>) target(%dma_start3A_65 : memref<16xf32, #tpu.memory_space<hbm>>) target_semaphore(%run_scoped3A : memref<!tpu.dma_semaphore, #tpu.memory_space<semaphore_mem>>)
      %dma_wait3A = arith.constant 0 : i32
      %dma_wait3A_66 = tpu.memref_slice %arg4[%add3A, %dma_wait3A] : memref<32x16xf32, #tpu.memory_space<hbm>> -> memref<1x16xf32, #tpu.memory_space<hbm>>
      %dma_wait3A_67 = tpu.memref_squeeze %dma_wait3A_66 : memref<1x16xf32, #tpu.memory_space<hbm>> -> memref<16xf32, #tpu.memory_space<hbm>>
      %dma_wait3A_68 = arith.constant 0 : i32
      %dma_wait3A_69 = tpu.memref_slice %arg4[%add3A, %dma_wait3A_68] : memref<32x16xf32, #tpu.memory_space<hbm>> -> memref<1x16xf32, #tpu.memory_space<hbm>>
      %dma_wait3A_70 = tpu.memref_squeeze %dma_wait3A_69 : memref<1x16xf32, #tpu.memory_space<hbm>> -> memref<16xf32, #tpu.memory_space<hbm>>
      tpu.wait_dma2 semaphore(%run_scoped3A : memref<!tpu.dma_semaphore, #tpu.memory_space<semaphore_mem>>) src(%arg10 : memref<16xf32, #tpu.memory_space<vmem>>) dst(%dma_wait3A_70 : memref<16xf32, #tpu.memory_space<hbm>>)
      tpu.yield
    }) : () -> ()
    return
  }
}

</mosaic_0001>

<sc_bundles>
// kernel: _lovasz_sc.3.cloned.1.call-start
scs
__scs_entry_jumppad:
0x0: {  	(pc) =	sbr.rel $0x88, $3  }
0x1: {  	(tag) =	ssettag $0x0;
	lr =	simm.s32 $0x1  }
0x2: {  	[smem:$0x3F9F] =	sst lr;
	_ =	strace $0xD0000000  }
0x3: {  	_ = 	snop  }
0x4: {  	_ = 	snop  }
0x5: {  	_ = 	snop  }
0x6: {  	_ = 	snop  }
0x7: {  	_ = 	snop  }
__scs_overlays_trampoline_lowered:
0x8: {  	[smem:$0x3FAE] =	sst s0  }
0x9: {  	[smem:$0x3FAF] =	sst s1  }
0xa: {  	[smem:$0x3FB0] =	sst s2  }
0xb: {  	[smem:$0x3FB1] =	sst s3  }
0xc: {  	[smem:$0x3FB2] =	sst s4  }
0xd: {  	[smem:$0x3FB3] =	sst s5  }
0xe: {  	[smem:$0x3FB4] =	sst s6  }
0xf: {  	[smem:$0x3FB5] =	sst s7  }
0x10: {  	[smem:$0x3FB6] =	sst s8  }
0x11: {  	[smem:$0x3FB7] =	sst s9;
	s0 =	simm.s32 @!p0 $0x0  }
0x12: {  	s1 =	sld [smem:$0x3F9D];
	s0 =	simm.s32 @p0 $0x1  }
0x13: {  	[smem:$0x3FB8] =	sst s0;
	s0 =	simm.s32 @!p1 $0x0  }
0x14: {  	s2 =	sld [smem:$0x3F9C];
	s0 =	simm.s32 @p1 $0x1  }
0x15: {  	[smem:$0x3FB9] =	sst s0;
	s0 =	simm.s32 @!p2 $0x0  }
0x16: {  	s3 =	sld [smem:$0x3FDB];
	s0 =	simm.s32 @p2 $0x1  }
0x17: {  	s4 =	simm.s32 $0x1BF5;
	[smem:$0x3FBB] =	sst s0  }
0x18: {  	s0 =	sld [smem:$0x3F9E];
	_ =	swait.ge [sflag:s4], $0x0  }
0x19: {  	s7 =	sld [smem:$0x3F9F]  }
0x1a: {  	s8 =	sadd.s32 $0xFFFFE003, lr  }
0x1b: {  	s9 =	sadd.s32 $0xFFFFFEF7, lr;
	s5 =	simm.s32 $0xFFFFFFFF;
	p2 =	slt.u32 s8, $0xFFFFF086  }
0x1c: {  	p1 =	slt.u32 s9, $0xF7A;
	s5 =	simm.s32 @!p2 $0x0  }
0x1d: {  	s5 =	simm.s32 @p1 $0x1;
	p0 =	seq.s32 s7, s2  }
0x1e: {  	s7 =	smul.u32 @!p0 $0xF7A, s2;
	p2 =	seq.s32 @!p0 s5, $0x0  }
0x1f: {  	s9 =	smul.u32 $0xF7A, s1;
	s8 =	simm.s32 @!p0 $0x1BF5;
	p2 =	por !p2, p0  }
0x20: {  	[sflag:s8] =	ssyncset.s32 @!p0 $0xFFFFF086;
	s6 =	sadd.s32 @!p0 s3, s7;
	s7 =	simm.s32 @!p0 $0x108  }
0x21: {  	s3 =	sadd.s32 s3, s9;
	s6 =	sadd.s32 @!p0 $0x88, s6;
	s7 =	simm.s32 @p2 $0x1082  }
0x22: {  	[simem:s7], [sflag:s8] =	dma.local @!p0 [hbm:s6], $0xF7A  }
0x23: {  	s9 =	sor.u32 $0xD0000000, s2;
	s6 =	simm.s32 $0x108;
	_ =	swait.ge @!p0 [sflag:s8], $0x0  }
0x24: {  	s3 =	sadd.s32 $0x88, s3;
	s6 =	simm.s32 @!p1 $0x1082;
	[sflag:s4] =	ssyncset.s32 $0xFFFFF086  }
0x25: {  	[simem:s6], [sflag:s4] =	dma.local [hbm:s3], $0xF7A  }
0x26: {  	[smem:$0x3F9F] =	sst s1;
	(tag) =	ssettag s2;
	_ =	strace s9  }
0x27: {  	s1 =	sld [smem:$0x3FAF]  }
0x28: {  	s2 =	sld [smem:$0x3FB0]  }
0x29: {  	s4 =	sld [smem:$0x3FB2]  }
0x2a: {  	p0 =	seq.s32 s5, $0x0;
	s5 =	sld [smem:$0x3FB3]  }
0x2b: {  	s6 =	sld [smem:$0x3FB4]  }
0x2c: {  	s7 =	sld [smem:$0x3FB5]  }
0x2d: {  	s3 =	simm.s32 $0x108;
	s8 =	sld [smem:$0x3FB6]  }
0x2e: {  	s3 =	simm.s32 @!p0 $0x1082;
	s9 =	sld [smem:$0x3FB7]  }
0x2f: {  	lr =	sadd.s32 s0, s3;
	s0 =	sld [smem:$0x3FAE]  }
0x30: {  	s3 =	sld [smem:$0x3FB1]  }
0x31: {  	[smem:$0x3FBA] =	sst s10  }
0x32: {  	s10 =	sld [smem:$0x3FB8];
	_ =	sdelay $0x3  }
0x33: {  	p0 =	seq.s32 s10, $0x1;
	s10 =	sld [smem:$0x3FBA];
	_ =	sdelay $0x3  }
0x34: {  	[smem:$0x3FBA] =	sst s10  }
0x35: {  	s10 =	sld [smem:$0x3FB9];
	_ =	sdelay $0x3  }
0x36: {  	p1 =	seq.s32 s10, $0x1;
	s10 =	sld [smem:$0x3FBA];
	_ =	sdelay $0x3  }
0x37: {  	[smem:$0x3FBA] =	sst s10  }
0x38: {  	s10 =	sld [smem:$0x3FBB]  }
0x39: {  	_ = 	snop;
	(pc) =	sbr.ind lr, $3  }
0x3a: {  	_ = 	snop  }
0x3b: {  	_ = 	snop  }
0x3c: {  	p2 =	seq.s32 s10, $0x1;
	s10 =	sld [smem:$0x3FBA]  }
0x3d: {  	_ =	shalt  }
0x3e: {  	_ =	shalt  }
0x3f: {  	_ =	shalt  }
0x40: {  	_ =	shalt  }
0x41: {  	_ =	shalt  }
0x42: {  	_ =	shalt  }
0x43: {  	_ =	shalt  }
0x44: {  	_ =	shalt  }
0x45: {  	_ =	shalt  }
0x46: {  	_ =	shalt  }
0x47: {  	_ =	shalt  }
0x48: {  	_ =	shalt  }
0x49: {  	_ =	shalt  }
0x4a: {  	_ =	shalt  }
0x4b: {  	_ =	shalt  }
0x4c: {  	_ =	shalt  }
0x4d: {  	_ =	shalt  }
0x4e: {  	_ =	shalt  }
0x4f: {  	_ =	shalt  }
0x50: {  	_ =	shalt  }
0x51: {  	_ =	shalt  }
0x52: {  	_ =	shalt  }
0x53: {  	_ =	shalt  }
0x54: {  	_ =	shalt  }
0x55: {  	_ =	shalt  }
0x56: {  	_ =	shalt  }
0x57: {  	_ =	shalt  }
0x58: {  	_ =	shalt  }
0x59: {  	_ =	shalt  }
0x5a: {  	_ =	shalt  }
0x5b: {  	_ =	shalt  }
0x5c: {  	_ =	shalt  }
0x5d: {  	_ =	shalt  }
0x5e: {  	_ =	shalt  }
0x5f: {  	_ =	shalt  }
0x60: {  	_ =	shalt  }
0x61: {  	_ =	shalt  }
0x62: {  	_ =	shalt  }
0x63: {  	_ =	shalt  }
0x64: {  	_ =	shalt  }
0x65: {  	_ =	shalt  }
0x66: {  	_ =	shalt  }
0x67: {  	_ =	shalt  }
0x68: {  	_ =	shalt  }
0x69: {  	_ =	shalt  }
0x6a: {  	_ =	shalt  }
0x6b: {  	_ =	shalt  }
0x6c: {  	_ =	shalt  }
0x6d: {  	_ =	shalt  }
0x6e: {  	_ =	shalt  }
0x6f: {  	_ =	shalt  }
0x70: {  	_ =	shalt  }
0x71: {  	_ =	shalt  }
0x72: {  	_ =	shalt  }
0x73: {  	_ =	shalt  }
0x74: {  	_ =	shalt  }
0x75: {  	_ =	shalt  }
0x76: {  	_ =	shalt  }
0x77: {  	_ =	shalt  }
0x78: {  	_ =	shalt  }
0x79: {  	_ =	shalt  }
0x7a: {  	_ =	shalt  }
0x7b: {  	_ =	shalt  }
0x7c: {  	_ =	shalt  }
0x7d: {  	_ =	shalt  }
0x7e: {  	_ =	shalt  }
0x7f: {  	_ =	shalt  }
0x80: {  	_ =	shalt  }
0x81: {  	_ =	shalt  }
0x82: {  	_ =	shalt  }
0x83: {  	_ =	shalt  }
0x84: {  	_ =	shalt  }
0x85: {  	_ =	shalt  }
0x86: {  	_ =	shalt  }
0x87: {  	_ =	shalt  }
.Lfunc_end0:
.L_simem_size_0:
called_computation_lowered:
.L_overlay_start_0:
0x88: {  	s2 =	sld [smem:$0x3FD9]  }
0x89: {  	s3 =	sld [smem:$0x3FFE];
	_ =	sdelay $0x1  }
0x8a: {  	s1 =	srdreg.scid  }
0x8b: {  	s0 =	sand.u32 $0x1, s1  }
0x8c: {  	s17 =	sshll.u32 s0, $0xA;
	s2 =	sadd.s32 s3, s2  }
0x8d: {  	s2 =	sadd.s32 s2, s17  }
0x8e: {  	[smem:$0x3FC6] =	sst s2  }
0x8f: {  	_ = 	snop  }
0x90: {  	s2 =	sld [smem:$0x3FC9]  }
0x91: {  	s18 =	sld [smem:$0x3FC8];
	(tm) =	ssettm $0x1  }
0x92: {  	s4 =	sld [smem:$0x3FFB];
	_ =	sdelay $0x3  }
0x93: {  	_ =	strace s4  }
0x94: {  	s4 =	sld [smem:$0x3FFC];
	_ =	sdelay $0x3  }
0x95: {  	_ =	strace s4  }
0x96: {  	s4 =	sld [smem:$0x3FFD];
	_ =	sdelay $0x3  }
0x97: {  	_ =	strace s4  }
0x98: {  	_ =	strace $0x8FFFFFFF  }
0x99: {  	s19 =	sld [smem:$0x3FDB];
	_ =	sdelay $0x1  }
0x9a: {  	s5 =	simm.s32 $_scs_section_size  }
0x9b: {  	s6 =	simm.s32 $_size__tile_overlayer_lowered;
	s7 =	simm.s32 $_tile_overlayer_lowered  }
0x9c: {  	s22 =	simm.s32 $0x1BFF;
	s21 =	sshll.u32 s7, $0x1;
	s4 =	sadd.s32 s5, s19  }
0x9d: {  	s8 =	simm.s32 $0x0;
	s20 =	sshll.u32 s6, $0x1;
	s6 =	sadd.s32 s21, s4  }
0x9e: {  	[timem:s8], [sflag:s22] =	dma.local [hbm:s6], s20  }
0x9f: {  	_ =	swait.ge [sflag:s22], s20  }
0xa0: {  	s5 =	ssub.s32 $0x0, s20;
	[sflag:s22] =	ssyncset.done $0x0  }
0xa1: {  	[sflag:s22] =	ssyncadd.s32 s5;
	_ =	sdelay $0x1  }
0xa2: {  	s23 =	simm.s32 $0x1B8B  }
0xa3: {  	_ =	swait.ge [sflag:s23], $0x1  }
0xa4: {  	[sflag:s23] =	ssyncset.done $0x0  }
0xa5: {  	s25 =	simm.s32 $0x1B8E;
	s24 =	sld [smem:$0x3FFE];
	[sflag:s23] =	ssyncadd.s32 $0xFFFFFFFF  }
0xa6: {  	s26 =	simm.s32 $execute0_lowered;
	[smem:$0x3FD2] =	sst s25  }
0xa7: {  	s6 =	sshll.u32 s26, $0x1;
	_ =	strace $0x80000046;
	[dreg:$0x1] =	wrdreg $0xFFFFFFFF  }
0xa8: {  	s28 =	simm.s32 $_size_execute0_lowered;
	s4 =	sadd.s32 s4, s6;
	[dreg:$0x0] =	wrdreg $0x0  }
0xa9: {  	s6 =	sshll.u32 s28, $0x1;
	[dreg:$0x2] =	wrdreg s4  }
0xaa: {  	[dreg:$0x3] =	wrdreg s6  }
0xab: {  	[dreg:$0x4] =	wrdreg $0xC0  }
0xac: {  	_ =	task [dreg:s8], $0x5FFFF  }
0xad: {  	[dreg:$0x1] =	wrdreg $0xFFFFFFFF  }
0xae: {  	[dreg:$0x0] =	wrdreg $0x60  }
0xaf: {  	[dreg:$0x2] =	wrdreg s2  }
0xb0: {  	[dreg:$0x3] =	wrdreg s18  }
0xb1: {  	[dreg:$0x4] =	wrdreg s24  }
0xb2: {  	[dreg:$0x5] =	wrdreg $0x9  }
0xb3: {  	_ =	task.clear_ibuf [dreg:s8], $0x6FFFF;
	_ =	strace $0x90000046  }
0xb4: {  	s29 =	simm.s32 $0x9;
	_ =	strace $0x80000048  }
0xb5: {  	_ =	swait.ge [sflag:s29], $0x1  }
0xb6: {  	[sflag:s29] =	ssyncadd.s32 $0xFFFFFFFF  }
0xb7: {  	_ =	strace $0x90000048  }
0xb8: {  	_ =	sfence  }
0xb9: {  	s30 =	sld [smem:$0x0];
	_ =	sdelay $0x2  }
0xba: {  	s31 =	sshll.u32 s1, $0xD;
	s1 =	sshrl.u32 s1, $0x2  }
0xbb: {  	s3 =	sand.u32 $0x4000, s31;
	s1 =	sadd.s32 s1, s30  }
0xbc: {  	s0 =	sor.u32 s3, s0;
	s1 =	sshll.u32 s1, $0x11  }
0xbd: {  	s0 =	sor.u32 s1, s0  }
0xbe: {  	s0 =	sadd.s32 $0x8F2B, s0  }
0xbf: {  	[sflag:s0] =	ssyncadd.remote.s32 $0x1  }
0xc0: {  	_ =	sfence.sel $0xFFFF  }
0xc1: {  	[dreg:$0x0] =	wrdreg $0xFFFFFFFF;
	(pc) =	sbr.abs _section_cstart, $3  }
0xc2: {  	[dreg:$0x1] =	wrdreg $0xFFFFFFFF  }
0xc3: {  	_ =	task.clear_ibuf [dreg:s8], $0x2FFFF;
	_ =	strace $0x9FFFFFFF  }
0xc4: {  	(tm) =	ssettm $0x7FFFFFFF  }
0xc5: {  	_ =	shalt  }
tec
execute0_lowered:
.L_overlay_start_1:
0x0: {  	(tag) =	ssettag $0x1  }
0x1: {  	s1 =	rddreg [dreg:$0x0]  }
0x2: {  	s3 =	rddreg [dreg:$0x1]  }
0x3: {  	s5 =	rddreg [dreg:$0x2];
	s6 =	srdreg.scid  }
0x4: {  	s0 =	stileid.u32;
	s4 =	simm.s32 $0x0;
	s11 =	simm.s32 $0x4000  }
0x5: {  	s12 =	simm.s32 $0x2000;
	s13 =	simm.s32 $0x6000;
	s14 =	simm.s32 $0x1  }
0x6: {  	s15 =	simm.s32 $0x2;
	s16 =	simm.s32 $0x8000;
	s17 =	simm.s32 $0x3  }
0x7: {  	s18 =	simm.s32 $0x4;
	s19 =	simm.s32 $0x10000;
	s20 =	simm.s32 $0x5  }
0x8: {  	s21 =	simm.s32 $0x0;
	s6 =	sand.u32 $0x1, s6;
	s7 =	sshll.u32 s0, $0x1  }
0x9: {  	[smem:$0x7FF] =	sst s4;
	s7 =	sor.u32 s6, s7;
	s6 =	ssub.s32 $0x2, s6  }
0xa: {  	_ =	strace $0x80000047;
	s8 =	sshll.u32 s7, $0x4;
	s30 =	sshrl.u32 s6, $0x1  }
0xb: {  	s31 =	sshll.u32 s7, $0xF;
	s9 =	sadd.s32 s8, s5;
	s10 =	ssub.s32 s6, s30  }
0xc: {  	v0 =	vimm.f32 $0.0e+00;
	s5 =	sshll.u32 s7, $0x12;
	s6 =	sadd.s32 s1, s31;
	s7 =	sadd.s32 s3, s31  }
0xd: {  	v1 =	vimm.f32 $1.000000000e+00;
	vm0 =	vmxor vm0, vm0;
	vm1 =	vmmov $0x7fff;
	s8 =	sor.u32 $0x4000, s5;
	s9 =	sadd.s32 $0x400, s9;
	s10 =	smax.u32 s10, $0x1  }
.LBB2_1:
0xe: {  	s22 =	simm.s32 $0x8040  }
0xf: {  	[tilespmem:s22+$0xFFFFFFC0] =	vst v0  }
0x10: {  	[tilespmem:s22+$0x30] =	vst v0  }
0x11: {  	[tilespmem:s22+$0x20] =	vst v0  }
0x12: {  	[tilespmem:s22+$0x10] =	vst v0  }
0x13: {  	[tilespmem:s22+$0x0] =	vst v0  }
0x14: {  	[tilespmem:s22+$0xFFFFFFF0] =	vst v0  }
0x15: {  	s23 =	simm.s32 $0x0;
	[tilespmem:s22+$0xFFFFFFE0] =	vst v0  }
.LBB2_2:
0x16: {  	s23 =	sadd.s32 $0x8, s23;
	[tilespmem:s22+$0xFFFFFFD0] =	vst v0;
	s22 =	sadd.s32 $0x80, s22  }
0x17: {  	[tilespmem:s22+$0xFFFFFFC0] =	vst v0;
	p0 =	slt.u32 s23, $0x7F8  }
0x18: {  	[tilespmem:s22+$0x30] =	vst v0  }
.Ltmp0:
0x19: {  	[tilespmem:s22+$0x20] =	vst v0;
	(pc) =	sbr.rel @p0 .LBB2_2-.Ltmp0, $4  }
0x1a: {  	[tilespmem:s22+$0x10] =	vst v0  }
0x1b: {  	[tilespmem:s22+$0x0] =	vst v0  }
0x1c: {  	[tilespmem:s22+$0xFFFFFFF0] =	vst v0  }
0x1d: {  	[tilespmem:s22+$0xFFFFFFE0] =	vst v0  }
0x1e: {  	[tilespmem:s22+$0xFFFFFFD0] =	vst v0;
	s22 =	simm.s32 $0x0  }
0x1f: {  	[tilespmem:s22], [sflag:$0x1] =	stream.linear.gather [hbm4b:s6+s22], $0x2000, $0x38;
	[tilespmem:$0x10080] =	vst v63  }
0x20: {  	s23 =	simm.s32 $0x0  }
0x21: {  	[tilespmem:s11], [sflag:$0x2] =	stream.linear.gather [hbm4b:s7+s22], $0x2000, $0x38;
	[tilespmem:$0x10080] =	vst v63  }
.LBB2_4:
0x22: {  	s24 =	sshll.u32 s23, $0xE  }
0x23: {  	s25 =	sor.u32 s24, s5  }
0x24: {  	s25 =	sshrl.u32 s25, $0x3  }
0x25: {  	s25 =	sor.u32 $0x400, s25  }
0x26: {  	s26 =	sadd.s32 s1, s25  }
0x27: {  	[tilespmem:s12], [sflag:$0x3] =	stream.linear.gather [hbm4b:s26+s22], $0x2000, $0x38;
	[tilespmem:$0x10080] =	vst v63  }
0x28: {  	s25 =	sadd.s32 s3, s25  }
0x29: {  	[tilespmem:s13], [sflag:$0x4] =	stream.linear.gather [hbm4b:s25+s22], $0x2000, $0x38;
	[tilespmem:$0x10080] =	vst v63  }
0x2a: {  	_ =	swait.ge [sflag:s14], $0x2000  }
0x2b: {  	[sflag:s14] =	ssyncset.done $0x0  }
0x2c: {  	s29 =	simm.s32 $0x0;
	s30 =	sand.u32 $0xC00, s22;
	[sflag:s14] =	ssyncadd.s32 $0xFFFFE000  }
0x2d: {  	s28 =	simm.s32 $0x0;
	s25 =	sand.u32 $0x1000, s29;
	_ =	swait.ge [sflag:s15], $0x2000  }
0x2e: {  	s31 =	sand.u32 $0x380, s28;
	s25 =	sor.u32 s30, s25;
	[sflag:s15] =	ssyncset.done $0x0  }
0x2f: {  	s25 =	sor.u32 s31, s25;
	[sflag:s15] =	ssyncadd.s32 $0xFFFFE000  }
0x30: {  	v2 =	vld [tilespmem:s25+$0x70]  }
0x31: {  	v3 =	vld [tilespmem:s25+$0x0]  }
0x32: {  	v4 =	vld [tilespmem:s25+$0x10]  }
0x33: {  	v9 =	vld [tilespmem:s25+$0x4070]  }
0x34: {  	v5 =	vld [tilespmem:s25+$0x20]  }
0x35: {  	v6 =	vld [tilespmem:s25+$0x30]  }
0x36: {  	v8 =	vld [tilespmem:s25+$0x40]  }
0x37: {  	v10 =	vld [tilespmem:s25+$0x50];
	v7 =	vmul.f32 $1.024000000e+03, v2  }
0x38: {  	v13 =	vld [tilespmem:s25+$0x60]  }
0x39: {  	v11 =	vsub.f32 $0.0e+00, v7  }
0x3a: {  	v12 =	vmul.f32 $1.024000000e+03, v3;
	vm2 =	vgt.s32 v9, $0x0  }
0x3b: {  	v14 =	vmul.f32 $1.024000000e+03, v4;
	v2 =	vld [tilespmem:s25+$0x4000];
	v15 =	vmul.f32 $1.024000000e+03, v5;
	v4 =	vsel vm2, v11, v7  }
0x3c: {  	v3 =	vld [tilespmem:s25+$0x4010];
	v16 =	vmul.f32 $1.024000000e+03, v6;
	v19 =	vmul.f32 $1.024000000e+03, v8;
	v6 =	vadd.f32 $8.389632000e+06, v4  }
0x3d: {  	v10 =	vmul.f32 $1.024000000e+03, v10;
	v13 =	vmul.f32 $1.024000000e+03, v13;
	v9 =	vshll.u32 v9, $0xE;
	v4 =	vld [tilespmem:s25+$0x4020]  }
0x3e: {  	v5 =	vld [tilespmem:s25+$0x4030];
	v17 =	vsub.f32 $0.0e+00, v14;
	v18 =	vsub.f32 $0.0e+00, v15;
	v8 =	vsub.s32 $0x4B003FFF, v6  }
0x3f: {  	v20 =	vsub.f32 $0.0e+00, v16;
	v21 =	vsub.f32 $0.0e+00, v19;
	vm2 =	vgt.s32 v8, $0x0  }
0x40: {  	v22 =	vsub.f32 $0.0e+00, v10;
	v24 =	vsub.f32 $0.0e+00, v13;
	v6 =	vld [tilespmem:s25+$0x4040];
	v23 =	vnsel vm2, $0x0, v8  }
0x41: {  	v11 =	vsub.f32 $0.0e+00, v12;
	v7 =	vld [tilespmem:s25+$0x4050];
	vm3 =	vgt.s32 v2, $0x0;
	v23 =	vmin.u32 v23, $0x3FFF  }
0x42: {  	v8 =	vld [tilespmem:s25+$0x4060];
	vm2 =	vgt.s32 v3, $0x0;
	vm4 =	vgt.s32 v4, $0x0;
	v23 =	vor.u32 v9, v23  }
0x43: {  	v9 =	vsel vm3, v11, v12;
	v11 =	vsel vm2, v17, v14;
	vm2 =	vgt.s32 v5, $0x0  }
0x44: {  	v12 =	vsel vm4, v18, v15;
	v14 =	vsel vm2, v20, v16;
	v9 =	vadd.f32 $8.389632000e+06, v9  }
0x45: {  	vm2 =	vgt.s32 v6, $0x0;
	v16 =	vadd.f32 $8.389632000e+06, v11;
	v12 =	vadd.f32 $8.389632000e+06, v12  }
0x46: {  	v15 =	vsel vm2, v21, v19;
	vm2 =	vgt.s32 v7, $0x0;
	v14 =	vadd.f32 $8.389632000e+06, v14  }
0x47: {  	v10 =	vsel vm2, v22, v10;
	vm2 =	vgt.s32 v8, $0x0;
	v11 =	vsub.s32 $0x4B003FFF, v9  }
0x48: {  	v17 =	vadd.f32 $8.389632000e+06, v15;
	v13 =	vsel vm2, v24, v13;
	v63 =	vadd.f32 $8.389632000e+06, v10  }
0x49: {  	v9 =	vsub.s32 $0x4B003FFF, v16;
	v10 =	vsub.s32 $0x4B003FFF, v12;
	v15 =	vadd.f32 $8.389632000e+06, v13  }
0x4a: {  	s26 =	simm.s32 $0x0;
	s25 =	simm.s32 $0x0;
	v14 =	vsub.s32 $0x4B003FFF, v14;
	[tilespmem:v23+s16+$0x0] =	vst.idx.add.f32.msk $0xffff, v1;
	v12 =	vsub.s32 $0x4B003FFF, v17;
	v13 =	vsub.s32 $0x4B003FFF, v63  }
.LBB2_5:
0x4b: {  	s25 =	sadd.s32 $0x8, s25;
	vm2 =	vgt.s32 v11, $0x0;
	vm3 =	vgt.s32 v9, $0x0;
	v15 =	vsub.s32 $0x4B003FFF, v15  }
0x4c: {  	vm4 =	vgt.s32 v10, $0x0;
	vm5 =	vgt.s32 v14, $0x0;
	vm6 =	vgt.s32 v12, $0x0;
	s26 =	sadd.s32 $0x400, s26;
	s28 =	sshll.u32 s25, $0x4;
	p0 =	slt.u32 s25, $0x1F8  }
0x4d: {  	s29 =	sand.u32 $0xC00, s26;
	s30 =	sshll.u32 s25, $0x2;
	v11 =	vnsel vm2, $0x0, v11;
	vm2 =	vgt.s32 v13, $0x0;
	vm7 =	vgt.s32 v15, $0x0;
	s28 =	sand.u32 $0x1000, s28  }
0x4e: {  	v9 =	vnsel vm3, $0x0, v9;
	v10 =	vnsel vm4, $0x0, v10;
	v14 =	vnsel vm5, $0x0, v14;
	s28 =	sor.u32 s29, s28;
	s29 =	sand.u32 $0x380, s30  }
0x4f: {  	v12 =	vnsel vm6, $0x0, v12;
	v13 =	vnsel vm2, $0x0, v13;
	v15 =	vnsel vm7, $0x0, v15;
	s28 =	sor.u32 s29, s28  }
0x50: {  	v11 =	vmin.u32 v11, $0x3FFF;
	v9 =	vmin.u32 v9, $0x3FFF;
	v10 =	vmin.u32 v10, $0x3FFF;
	v16 =	vld [tilespmem:s28+$0x70]  }
0x51: {  	v14 =	vmin.u32 v14, $0x3FFF;
	v12 =	vmin.u32 v12, $0x3FFF;
	v13 =	vmin.u32 v13, $0x3FFF;
	v17 =	vld [tilespmem:s28+$0x0]  }
0x52: {  	v2 =	vshll.u32 v2, $0xE;
	v3 =	vshll.u32 v3, $0xE;
	v15 =	vmin.u32 v15, $0x3FFF;
	v18 =	vld [tilespmem:s28+$0x10]  }
0x53: {  	v4 =	vshll.u32 v4, $0xE;
	v5 =	vshll.u32 v5, $0xE;
	v6 =	vshll.u32 v6, $0xE;
	v19 =	vld [tilespmem:s28+$0x4070]  }
0x54: {  	v11 =	vor.u32 v2, v11;
	v2 =	vshll.u32 v7, $0xE;
	v7 =	vshll.u32 v8, $0xE;
	v20 =	vld [tilespmem:s28+$0x20]  }
0x55: {  	v9 =	vor.u32 v3, v9;
	v10 =	vor.u32 v4, v10;
	v8 =	vld [tilespmem:s28+$0x30];
	v16 =	vmul.f32 $1.024000000e+03, v16  }
0x56: {  	v14 =	vor.u32 v5, v14;
	v12 =	vor.u32 v6, v12;
	v17 =	vmul.f32 $1.024000000e+03, v17;
	v21 =	vld [tilespmem:s28+$0x40]  }
0x57: {  	v13 =	vor.u32 v2, v13;
	v18 =	vmul.f32 $1.024000000e+03, v18;
	v6 =	vld [tilespmem:s28+$0x50];
	v3 =	vsub.f32 $0.0e+00, v16  }
0x58: {  	v24 =	vor.u32 v7, v15;
	v22 =	vsub.f32 $0.0e+00, v17;
	v23 =	vld [tilespmem:s28+$0x60];
	vm2 =	vgt.s32 v19, $0x0  }
0x59: {  	v2 =	vld [tilespmem:s28+$0x4000];
	v15 =	vsub.f32 $0.0e+00, v18;
	v20 =	vmul.f32 $1.024000000e+03, v20;
	v4 =	vsel vm2, v3, v16  }
0x5a: {  	v3 =	vld [tilespmem:s28+$0x4010];
	v16 =	vmul.f32 $1.024000000e+03, v8;
	v7 =	vadd.f32 $8.389632000e+06, v4  }
0x5b: {  	v4 =	vld [tilespmem:s28+$0x4020];
	v25 =	vsub.f32 $0.0e+00, v20;
	v21 =	vmul.f32 $1.024000000e+03, v21  }
0x5c: {  	v5 =	vld [tilespmem:s28+$0x4030];
	v26 =	vsub.f32 $0.0e+00, v16;
	v27 =	vmul.f32 $1.024000000e+03, v6;
	v8 =	vsub.s32 $0x4B003FFF, v7  }
0x5d: {  	v6 =	vld [tilespmem:s28+$0x4040];
	v28 =	vsub.f32 $0.0e+00, v21;
	v23 =	vmul.f32 $1.024000000e+03, v23;
	vm2 =	vgt.s32 v8, $0x0  }
0x5e: {  	vm3 =	vgt.s32 v2, $0x0;
	v7 =	vld [tilespmem:s28+$0x4050];
	v29 =	vsub.f32 $0.0e+00, v27;
	v30 =	vnsel vm2, $0x0, v8  }
0x5f: {  	v19 =	vshll.u32 v19, $0xE;
	v8 =	vld [tilespmem:s28+$0x4060];
	v31 =	vsub.f32 $0.0e+00, v23;
	v30 =	vmin.u32 v30, $0x3FFF  }
0x60: {  	vm2 =	vgt.s32 v3, $0x0;
	vm4 =	vgt.s32 v4, $0x0;
	v19 =	vor.u32 v19, v30;
	[tilespmem:v11+s16+$0x0] =	vst.idx.add.f32.msk $0xffff, v1  }
0x61: {  	v11 =	vsel vm3, v22, v17;
	v15 =	vsel vm2, v15, v18;
	vm2 =	vgt.s32 v5, $0x0;
	[tilespmem:v9+s16+$0x0] =	vst.idx.add.f32.msk $0xffff, v1  }
0x62: {  	v9 =	vsel vm4, v25, v20;
	v16 =	vsel vm2, v26, v16;
	vm2 =	vgt.s32 v6, $0x0;
	[tilespmem:v10+s16+$0x0] =	vst.idx.add.f32.msk $0xffff, v1  }
0x63: {  	v10 =	vadd.f32 $8.389632000e+06, v11;
	v17 =	vsel vm2, v28, v21;
	vm2 =	vgt.s32 v7, $0x0;
	[tilespmem:v14+s16+$0x0] =	vst.idx.add.f32.msk $0xffff, v1  }
.Ltmp1:
0x64: {  	v14 =	vadd.f32 $8.389632000e+06, v15;
	v15 =	vsel vm2, v29, v27;
	vm2 =	vgt.s32 v8, $0x0;
	[tilespmem:v12+s16+$0x0] =	vst.idx.add.f32.msk $0xffff, v1;
	(pc) =	sbr.rel @p0 .LBB2_5-.Ltmp1, $4  }
0x65: {  	v16 =	vadd.f32 $8.389632000e+06, v16;
	v12 =	vadd.f32 $8.389632000e+06, v9;
	v18 =	vsel vm2, v31, v23;
	[tilespmem:v19+s16+$0x0] =	vst.idx.add.f32.msk $0xffff, v1  }
0x66: {  	v11 =	vsub.s32 $0x4B003FFF, v10;
	v17 =	vadd.f32 $8.389632000e+06, v17;
	v19 =	vadd.f32 $8.389632000e+06, v15;
	[tilespmem:v13+s16+$0x0] =	vst.idx.add.f32.msk $0xffff, v1  }
0x67: {  	v9 =	vsub.s32 $0x4B003FFF, v14;
	v10 =	vsub.s32 $0x4B003FFF, v12;
	v15 =	vadd.f32 $8.389632000e+06, v18;
	[tilespmem:v24+s16+$0x0] =	vst.idx.add.f32.msk $0xffff, v1  }
0x68: {  	v14 =	vsub.s32 $0x4B003FFF, v16;
	v12 =	vsub.s32 $0x4B003FFF, v17;
	v13 =	vsub.s32 $0x4B003FFF, v19  }
0x69: {  	vm2 =	vgt.s32 v11, $0x0;
	vm3 =	vgt.s32 v9, $0x0  }
0x6a: {  	v15 =	vsub.s32 $0x4B003FFF, v15;
	vm4 =	vgt.s32 v10, $0x0;
	vm5 =	vgt.s32 v14, $0x0  }
0x6b: {  	vm6 =	vgt.s32 v12, $0x0;
	v2 =	vshll.u32 v2, $0xE;
	v3 =	vshll.u32 v3, $0xE  }
0x6c: {  	v4 =	vshll.u32 v4, $0xE;
	v5 =	vshll.u32 v5, $0xE;
	v6 =	vshll.u32 v6, $0xE  }
0x6d: {  	v7 =	vshll.u32 v7, $0xE;
	v11 =	vnsel vm2, $0x0, v11;
	vm2 =	vgt.s32 v13, $0x0  }
0x6e: {  	vm7 =	vgt.s32 v15, $0x0;
	v9 =	vnsel vm3, $0x0, v9;
	v11 =	vmin.u32 v11, $0x3FFF  }
0x6f: {  	v10 =	vnsel vm4, $0x0, v10;
	v9 =	vmin.u32 v9, $0x3FFF;
	v2 =	vor.u32 v2, v11  }
0x70: {  	v14 =	vnsel vm5, $0x0, v14;
	v10 =	vmin.u32 v10, $0x3FFF;
	v3 =	vor.u32 v3, v9  }
0x71: {  	v12 =	vnsel vm6, $0x0, v12;
	v9 =	vmin.u32 v14, $0x3FFF;
	v4 =	vor.u32 v4, v10  }
0x72: {  	v13 =	vnsel vm2, $0x0, v13;
	v10 =	vmin.u32 v12, $0x3FFF;
	v5 =	vor.u32 v5, v9  }
0x73: {  	v15 =	vnsel vm7, $0x0, v15;
	v9 =	vmin.u32 v13, $0x3FFF;
	v6 =	vor.u32 v6, v10  }
0x74: {  	v8 =	vshll.u32 v8, $0xE;
	v10 =	vmin.u32 v15, $0x3FFF;
	v7 =	vor.u32 v7, v9;
	[tilespmem:v2+s16+$0x0] =	vst.idx.add.f32.msk $0xffff, v1  }
0x75: {  	v2 =	vor.u32 v8, v10;
	[tilespmem:v3+s16+$0x0] =	vst.idx.add.f32.msk $0xffff, v1  }
0x76: {  	[tilespmem:v4+s16+$0x0] =	vst.idx.add.f32.msk $0xffff, v1  }
0x77: {  	p0 =	seq.s32 s23, $0xF;
	[tilespmem:v5+s16+$0x0] =	vst.idx.add.f32.msk $0xffff, v1  }
0x78: {  	s24 =	sadd.s32 @!p0 s24, s8;
	[tilespmem:v6+s16+$0x0] =	vst.idx.add.f32.msk $0xffff, v1  }
0x79: {  	s24 =	sshrl.u32 @!p0 s24, $0x3;
	[tilespmem:v7+s16+$0x0] =	vst.idx.add.f32.msk $0xffff, v1  }
0x7a: {  	s26 =	simm.s32 @!p0 $0x0;
	s25 =	sadd.s32 @!p0 s1, s24;
	[tilespmem:v2+s16+$0x0] =	vst.idx.add.f32.msk $0xffff, v1  }
0x7b: {  	[tilespmem:s26], [sflag:$0x1] =	stream.linear.gather @!p0 [hbm4b:s25+s26], $0x2000, $0x38;
	[tilespmem:$0x10080] =	vst v63  }
0x7c: {  	s24 =	sadd.s32 @!p0 s3, s24;
	s25 =	simm.s32 @!p0 $0x4000  }
0x7d: {  	[tilespmem:s25], [sflag:$0x2] =	stream.linear.gather @!p0 [hbm4b:s24+s26], $0x2000, $0x38;
	[tilespmem:$0x10080] =	vst v63  }
0x7e: {  	_ =	swait.ge [sflag:s17], $0x2000  }
0x7f: {  	s29 =	simm.s32 $0x0;
	[sflag:s17] =	ssyncset.done $0x0  }
0x80: {  	s28 =	simm.s32 $0x0;
	s24 =	simm.s32 $0x0;
	[sflag:s17] =	ssyncadd.s32 $0xFFFFE000  }
0x81: {  	s25 =	sand.u32 $0x1000, s29;
	s30 =	sand.u32 $0xC00, s24;
	_ =	swait.ge [sflag:s18], $0x2000  }
0x82: {  	s31 =	sand.u32 $0x380, s28;
	s25 =	sor.u32 s30, s25;
	[sflag:s18] =	ssyncset.done $0x0  }
0x83: {  	s25 =	sor.u32 s31, s25;
	[sflag:s18] =	ssyncadd.s32 $0xFFFFE000  }
0x84: {  	v2 =	vld [tilespmem:s25+$0x2070]  }
0x85: {  	v3 =	vld [tilespmem:s25+$0x2000]  }
0x86: {  	v4 =	vld [tilespmem:s25+$0x2010]  }
0x87: {  	v9 =	vld [tilespmem:s25+$0x6070]  }
0x88: {  	v5 =	vld [tilespmem:s25+$0x2020]  }
0x89: {  	v6 =	vld [tilespmem:s25+$0x2030]  }
0x8a: {  	v8 =	vld [tilespmem:s25+$0x2040]  }
0x8b: {  	v10 =	vld [tilespmem:s25+$0x2050];
	v7 =	vmul.f32 $1.024000000e+03, v2  }
0x8c: {  	v13 =	vld [tilespmem:s25+$0x2060]  }
0x8d: {  	v11 =	vsub.f32 $0.0e+00, v7  }
0x8e: {  	v12 =	vmul.f32 $1.024000000e+03, v3;
	vm2 =	vgt.s32 v9, $0x0  }
0x8f: {  	v14 =	vmul.f32 $1.024000000e+03, v4;
	v2 =	vld [tilespmem:s25+$0x6000];
	v15 =	vmul.f32 $1.024000000e+03, v5;
	v4 =	vsel vm2, v11, v7  }
0x90: {  	v3 =	vld [tilespmem:s25+$0x6010];
	v16 =	vmul.f32 $1.024000000e+03, v6;
	v19 =	vmul.f32 $1.024000000e+03, v8;
	v6 =	vadd.f32 $8.389632000e+06, v4  }
0x91: {  	v10 =	vmul.f32 $1.024000000e+03, v10;
	v13 =	vmul.f32 $1.024000000e+03, v13;
	v9 =	vshll.u32 v9, $0xE;
	v4 =	vld [tilespmem:s25+$0x6020]  }
0x92: {  	v5 =	vld [tilespmem:s25+$0x6030];
	v17 =	vsub.f32 $0.0e+00, v14;
	v18 =	vsub.f32 $0.0e+00, v15;
	v8 =	vsub.s32 $0x4B003FFF, v6  }
0x93: {  	v20 =	vsub.f32 $0.0e+00, v16;
	v21 =	vsub.f32 $0.0e+00, v19;
	vm2 =	vgt.s32 v8, $0x0  }
0x94: {  	v22 =	vsub.f32 $0.0e+00, v10;
	v24 =	vsub.f32 $0.0e+00, v13;
	v6 =	vld [tilespmem:s25+$0x6040];
	v23 =	vnsel vm2, $0x0, v8  }
0x95: {  	v11 =	vsub.f32 $0.0e+00, v12;
	v7 =	vld [tilespmem:s25+$0x6050];
	vm3 =	vgt.s32 v2, $0x0;
	v23 =	vmin.u32 v23, $0x3FFF  }
0x96: {  	v8 =	vld [tilespmem:s25+$0x6060];
	vm2 =	vgt.s32 v3, $0x0;
	vm15 =	vgt.s32 v4, $0x0;
	v23 =	vor.u32 v9, v23  }
0x97: {  	v9 =	vsel vm3, v11, v12;
	v11 =	vsel vm2, v17, v14;
	vm2 =	vgt.s32 v5, $0x0  }
0x98: {  	v12 =	vsel vm15, v18, v15;
	v14 =	vsel vm2, v20, v16;
	v9 =	vadd.f32 $8.389632000e+06, v9  }
0x99: {  	vm2 =	vgt.s32 v6, $0x0;
	v16 =	vadd.f32 $8.389632000e+06, v11;
	v12 =	vadd.f32 $8.389632000e+06, v12  }
0x9a: {  	v15 =	vsel vm2, v21, v19;
	vm2 =	vgt.s32 v7, $0x0;
	v14 =	vadd.f32 $8.389632000e+06, v14  }
0x9b: {  	v10 =	vsel vm2, v22, v10;
	vm2 =	vgt.s32 v8, $0x0;
	v11 =	vsub.s32 $0x4B003FFF, v9  }
0x9c: {  	v17 =	vadd.f32 $8.389632000e+06, v15;
	v13 =	vsel vm2, v24, v13;
	v63 =	vadd.f32 $8.389632000e+06, v10  }
0x9d: {  	v9 =	vsub.s32 $0x4B003FFF, v16;
	v10 =	vsub.s32 $0x4B003FFF, v12;
	v15 =	vadd.f32 $8.389632000e+06, v13  }
0x9e: {  	s25 =	simm.s32 $0x0;
	v14 =	vsub.s32 $0x4B003FFF, v14;
	[tilespmem:v23+s16+$0x0] =	vst.idx.add.f32.msk $0xffff, v1;
	v12 =	vsub.s32 $0x4B003FFF, v17;
	v13 =	vsub.s32 $0x4B003FFF, v63  }
.LBB2_7:
0x9f: {  	s25 =	sadd.s32 $0x8, s25;
	vm2 =	vgt.s32 v11, $0x0;
	vm3 =	vgt.s32 v9, $0x0;
	v15 =	vsub.s32 $0x4B003FFF, v15  }
0xa0: {  	vm4 =	vgt.s32 v10, $0x0;
	vm5 =	vgt.s32 v14, $0x0;
	vm6 =	vgt.s32 v12, $0x0;
	s24 =	sadd.s32 $0x400, s24;
	s26 =	sshll.u32 s25, $0x4;
	p0 =	slt.u32 s25, $0x1F8  }
0xa1: {  	s28 =	sand.u32 $0xC00, s24;
	s29 =	sshll.u32 s25, $0x2;
	v11 =	vnsel vm2, $0x0, v11;
	vm2 =	vgt.s32 v13, $0x0;
	vm7 =	vgt.s32 v15, $0x0;
	s26 =	sand.u32 $0x1000, s26  }
0xa2: {  	v9 =	vnsel vm3, $0x0, v9;
	v10 =	vnsel vm4, $0x0, v10;
	v14 =	vnsel vm5, $0x0, v14;
	s26 =	sor.u32 s28, s26;
	s28 =	sand.u32 $0x380, s29  }
0xa3: {  	v12 =	vnsel vm6, $0x0, v12;
	v13 =	vnsel vm2, $0x0, v13;
	v15 =	vnsel vm7, $0x0, v15;
	s26 =	sor.u32 s28, s26  }
0xa4: {  	v11 =	vmin.u32 v11, $0x3FFF;
	v9 =	vmin.u32 v9, $0x3FFF;
	v10 =	vmin.u32 v10, $0x3FFF;
	v16 =	vld [tilespmem:s26+$0x2070]  }
0xa5: {  	v14 =	vmin.u32 v14, $0x3FFF;
	v12 =	vmin.u32 v12, $0x3FFF;
	v13 =	vmin.u32 v13, $0x3FFF;
	v17 =	vld [tilespmem:s26+$0x2000]  }
0xa6: {  	v2 =	vshll.u32 v2, $0xE;
	v3 =	vshll.u32 v3, $0xE;
	v15 =	vmin.u32 v15, $0x3FFF;
	v18 =	vld [tilespmem:s26+$0x2010]  }
0xa7: {  	v4 =	vshll.u32 v4, $0xE;
	v5 =	vshll.u32 v5, $0xE;
	v6 =	vshll.u32 v6, $0xE;
	v19 =	vld [tilespmem:s26+$0x6070]  }
0xa8: {  	v11 =	vor.u32 v2, v11;
	v2 =	vshll.u32 v7, $0xE;
	v7 =	vshll.u32 v8, $0xE;
	v20 =	vld [tilespmem:s26+$0x2020]  }
0xa9: {  	v9 =	vor.u32 v3, v9;
	v10 =	vor.u32 v4, v10;
	v8 =	vld [tilespmem:s26+$0x2030];
	v16 =	vmul.f32 $1.024000000e+03, v16  }
0xaa: {  	v14 =	vor.u32 v5, v14;
	v12 =	vor.u32 v6, v12;
	v17 =	vmul.f32 $1.024000000e+03, v17;
	v21 =	vld [tilespmem:s26+$0x2040]  }
0xab: {  	v13 =	vor.u32 v2, v13;
	v18 =	vmul.f32 $1.024000000e+03, v18;
	v6 =	vld [tilespmem:s26+$0x2050];
	v3 =	vsub.f32 $0.0e+00, v16  }
0xac: {  	v24 =	vor.u32 v7, v15;
	v22 =	vsub.f32 $0.0e+00, v17;
	v23 =	vld [tilespmem:s26+$0x2060];
	vm2 =	vgt.s32 v19, $0x0  }
0xad: {  	v2 =	vld [tilespmem:s26+$0x6000];
	v15 =	vsub.f32 $0.0e+00, v18;
	v20 =	vmul.f32 $1.024000000e+03, v20;
	v4 =	vsel vm2, v3, v16  }
0xae: {  	v3 =	vld [tilespmem:s26+$0x6010];
	v16 =	vmul.f32 $1.024000000e+03, v8;
	v7 =	vadd.f32 $8.389632000e+06, v4  }
0xaf: {  	v4 =	vld [tilespmem:s26+$0x6020];
	v25 =	vsub.f32 $0.0e+00, v20;
	v21 =	vmul.f32 $1.024000000e+03, v21  }
0xb0: {  	v5 =	vld [tilespmem:s26+$0x6030];
	v26 =	vsub.f32 $0.0e+00, v16;
	v27 =	vmul.f32 $1.024000000e+03, v6;
	v8 =	vsub.s32 $0x4B003FFF, v7  }
0xb1: {  	v6 =	vld [tilespmem:s26+$0x6040];
	v28 =	vsub.f32 $0.0e+00, v21;
	v23 =	vmul.f32 $1.024000000e+03, v23;
	vm2 =	vgt.s32 v8, $0x0  }
0xb2: {  	vm3 =	vgt.s32 v2, $0x0;
	v7 =	vld [tilespmem:s26+$0x6050];
	v29 =	vsub.f32 $0.0e+00, v27;
	v30 =	vnsel vm2, $0x0, v8  }
0xb3: {  	v19 =	vshll.u32 v19, $0xE;
	v8 =	vld [tilespmem:s26+$0x6060];
	v31 =	vsub.f32 $0.0e+00, v23;
	v30 =	vmin.u32 v30, $0x3FFF  }
0xb4: {  	vm2 =	vgt.s32 v3, $0x0;
	vm4 =	vgt.s32 v4, $0x0;
	v19 =	vor.u32 v19, v30;
	[tilespmem:v11+s16+$0x0] =	vst.idx.add.f32.msk $0xffff, v1  }
0xb5: {  	v11 =	vsel vm3, v22, v17;
	v15 =	vsel vm2, v15, v18;
	vm2 =	vgt.s32 v5, $0x0;
	[tilespmem:v9+s16+$0x0] =	vst.idx.add.f32.msk $0xffff, v1  }
0xb6: {  	v9 =	vsel vm4, v25, v20;
	v16 =	vsel vm2, v26, v16;
	vm2 =	vgt.s32 v6, $0x0;
	[tilespmem:v10+s16+$0x0] =	vst.idx.add.f32.msk $0xffff, v1  }
0xb7: {  	v10 =	vadd.f32 $8.389632000e+06, v11;
	v17 =	vsel vm2, v28, v21;
	vm2 =	vgt.s32 v7, $0x0;
	[tilespmem:v14+s16+$0x0] =	vst.idx.add.f32.msk $0xffff, v1  }
.Ltmp2:
0xb8: {  	v14 =	vadd.f32 $8.389632000e+06, v15;
	v15 =	vsel vm2, v29, v27;
	vm2 =	vgt.s32 v8, $0x0;
	[tilespmem:v12+s16+$0x0] =	vst.idx.add.f32.msk $0xffff, v1;
	(pc) =	sbr.rel @p0 .LBB2_7-.Ltmp2, $4  }
0xb9: {  	v16 =	vadd.f32 $8.389632000e+06, v16;
	v12 =	vadd.f32 $8.389632000e+06, v9;
	v18 =	vsel vm2, v31, v23;
	[tilespmem:v19+s16+$0x0] =	vst.idx.add.f32.msk $0xffff, v1  }
0xba: {  	v11 =	vsub.s32 $0x4B003FFF, v10;
	v17 =	vadd.f32 $8.389632000e+06, v17;
	v19 =	vadd.f32 $8.389632000e+06, v15;
	[tilespmem:v13+s16+$0x0] =	vst.idx.add.f32.msk $0xffff, v1  }
0xbb: {  	v9 =	vsub.s32 $0x4B003FFF, v14;
	v10 =	vsub.s32 $0x4B003FFF, v12;
	v15 =	vadd.f32 $8.389632000e+06, v18;
	[tilespmem:v24+s16+$0x0] =	vst.idx.add.f32.msk $0xffff, v1  }
0xbc: {  	v14 =	vsub.s32 $0x4B003FFF, v16;
	v12 =	vsub.s32 $0x4B003FFF, v17;
	v13 =	vsub.s32 $0x4B003FFF, v19  }
0xbd: {  	vm2 =	vgt.s32 v11, $0x0;
	vm3 =	vgt.s32 v9, $0x0  }
0xbe: {  	v15 =	vsub.s32 $0x4B003FFF, v15;
	vm4 =	vgt.s32 v10, $0x0;
	vm5 =	vgt.s32 v14, $0x0  }
0xbf: {  	vm6 =	vgt.s32 v12, $0x0;
	v2 =	vshll.u32 v2, $0xE;
	v3 =	vshll.u32 v3, $0xE  }
0xc0: {  	v4 =	vshll.u32 v4, $0xE;
	v5 =	vshll.u32 v5, $0xE;
	v6 =	vshll.u32 v6, $0xE  }
0xc1: {  	v7 =	vshll.u32 v7, $0xE;
	v11 =	vnsel vm2, $0x0, v11;
	vm2 =	vgt.s32 v13, $0x0  }
0xc2: {  	vm7 =	vgt.s32 v15, $0x0;
	v9 =	vnsel vm3, $0x0, v9;
	v11 =	vmin.u32 v11, $0x3FFF  }
0xc3: {  	v10 =	vnsel vm4, $0x0, v10;
	v9 =	vmin.u32 v9, $0x3FFF;
	v2 =	vor.u32 v2, v11  }
0xc4: {  	v14 =	vnsel vm5, $0x0, v14;
	v10 =	vmin.u32 v10, $0x3FFF;
	v3 =	vor.u32 v3, v9  }
0xc5: {  	v12 =	vnsel vm6, $0x0, v12;
	v60 =	vmin.u32 v14, $0x3FFF;
	v4 =	vor.u32 v4, v10  }
0xc6: {  	v13 =	vnsel vm2, $0x0, v13;
	v61 =	vmin.u32 v12, $0x3FFF;
	v5 =	vor.u32 v5, v60  }
0xc7: {  	v15 =	vnsel vm7, $0x0, v15;
	v62 =	vmin.u32 v13, $0x3FFF;
	v6 =	vor.u32 v6, v61  }
0xc8: {  	v8 =	vshll.u32 v8, $0xE;
	s23 =	sadd.s32 $0x1, s23;
	v63 =	vmin.u32 v15, $0x3FFF;
	v7 =	vor.u32 v7, v62;
	[tilespmem:v2+s16+$0x0] =	vst.idx.add.f32.msk $0xffff, v1  }
0xc9: {  	p0 =	sne.s32 s23, $0x10;
	v2 =	vor.u32 v8, v63;
	[tilespmem:v3+s16+$0x0] =	vst.idx.add.f32.msk $0xffff, v1  }
.Ltmp3:
0xca: {  	[tilespmem:v4+s16+$0x0] =	vst.idx.add.f32.msk $0xffff, v1;
	(pc) =	sbr.rel @p0 .LBB2_4-.Ltmp3, $4  }
0xcb: {  	[tilespmem:v5+s16+$0x0] =	vst.idx.add.f32.msk $0xffff, v1  }
0xcc: {  	[tilespmem:v6+s16+$0x0] =	vst.idx.add.f32.msk $0xffff, v1  }
0xcd: {  	[tilespmem:v7+s16+$0x0] =	vst.idx.add.f32.msk $0xffff, v1  }
0xce: {  	[tilespmem:v2+s16+$0x0] =	vst.idx.add.f32.msk $0xffff, v1  }
0xcf: {  	s23 =	simm.s32 $0xC070  }
0xd0: {  	v2 =	vld [tilespmem:s23+$0xFFFFFF90];
	_ =	sdelay $0x1  }
0xd1: {  	v3 =	vld [tilespmem:s23+$0xFFFFFFA0];
	_ =	sdelay $0x1  }
0xd2: {  	v4 =	vimm.f32 $0.0e+00;
	v5 =	vld [tilespmem:s23+$0xFFFFFFB0]  }
0xd3: {  	v2 =	vadd.f32 v2, v4  }
0xd4: {  	v4 =	vld [tilespmem:s23+$0xFFFFFFC0]  }
0xd5: {  	v2 =	vadd.f32 v3, v2  }
0xd6: {  	v3 =	vld [tilespmem:s23+$0xFFFFFFD0]  }
0xd7: {  	v2 =	vadd.f32 v5, v2;
	_ =	sdelay $0x1  }
0xd8: {  	v5 =	vld [tilespmem:s23+$0xFFFFFFE0];
	v2 =	vadd.f32 v4, v2;
	_ =	sdelay $0x1  }
0xd9: {  	v4 =	vadd.f32 v3, v2;
	v2 =	vld [tilespmem:s23+$0xFFFFFFF0];
	_ =	sdelay $0x1  }
0xda: {  	v3 =	vld [tilespmem:s23+$0x0]  }
0xdb: {  	s22 =	simm.s32 $0x0;
	s23 =	simm.s32 $0xC0F0;
	v4 =	vadd.f32 v5, v4  }
.LBB2_10:
0xdc: {  	v5 =	vld [tilespmem:s23+$0xFFFFFF90];
	s22 =	sadd.s32 $0x8, s22  }
0xdd: {  	p0 =	slt.u32 s22, $0x3F8;
	v2 =	vadd.f32 v2, v4  }
0xde: {  	v4 =	vld [tilespmem:s23+$0xFFFFFFA0]  }
0xdf: {  	v2 =	vadd.f32 v3, v2  }
0xe0: {  	v3 =	vld [tilespmem:s23+$0xFFFFFFB0]  }
0xe1: {  	v2 =	vadd.f32 v5, v2  }
0xe2: {  	v5 =	vld [tilespmem:s23+$0xFFFFFFC0]  }
0xe3: {  	v2 =	vadd.f32 v4, v2  }
0xe4: {  	v4 =	vld [tilespmem:s23+$0xFFFFFFD0]  }
0xe5: {  	v2 =	vadd.f32 v3, v2  }
0xe6: {  	v6 =	vld [tilespmem:s23+$0xFFFFFFE0]  }
.Ltmp4:
0xe7: {  	v3 =	vadd.f32 v5, v2;
	(pc) =	sbr.rel @p0 .LBB2_10-.Ltmp4, $4  }
0xe8: {  	v2 =	vld [tilespmem:s23+$0xFFFFFFF0]  }
0xe9: {  	v4 =	vadd.f32 v4, v3  }
0xea: {  	v3 =	vld [tilespmem:s23+$0x0]  }
0xeb: {  	s23 =	sadd.s32 $0x80, s23;
	v4 =	vadd.f32 v6, v4  }
0xec: {  	_ = 	snop  }
0xed: {  	v2 =	vadd.f32 v2, v4;
	_ =	sdelay $0x1  }
0xee: {  	s22 =	simm.s32 $0x8010;
	v2 =	vadd.f32 v3, v2  }
0xef: {  	v4 =	vld [tilespmem:s22+$0xFFFFFFF0]  }
0xf0: {  	(xrf2) =	vadd.scan.msk.f32 $0xffff, v2;
	_ =	sdelay $0x2  }
0xf1: {  	v2 =	vld [tilespmem:s22+$0x0]  }
0xf2: {  	s26 =	simm.s32 $0x8030;
	(xrf2) =	vadd.scan.msk.f32 $0xffff, v4  }
0xf3: {  	v3 =	vld [tilespmem:s26+$0xFFFFFFF0];
	_ =	sdelay $0x1  }
0xf4: {  	s23 =	simm.s32 $0x0  }
0xf5: {  	s23 =	sand.u32 $0x3FE0, s23;
	(xrf2) =	vadd.scan.msk.f32 $0xffff, v2  }
0xf6: {  	v4 =	vld [tilespmem:s23+$0xC000]  }
0xf7: {  	v2, _, _ =	vpop (xrf2);
	(xrf2) =	vadd.scan.msk.f32 $0xffff, v3  }
0xf8: {  	s30 =	simm.s32 $0x10  }
0xf9: {  	s23 =	sand.u32 $0x3FF0, s30  }
0xfa: {  	v5 =	vld [tilespmem:s23+$0xC000]  }
0xfb: {  	v3, _, _ =	vpop (xrf2);
	(xrf2) =	vadd.scan.msk.f32 $0xffff, v4  }
0xfc: {  	(v2sf) =	vpush v3, $0xF;
	_ =	sdelay $0x1  }
0xfd: {  	v4 =	vld [tilespmem:s26+$0x0]  }
0xfe: {  	(xrf2) =	vadd.scan.msk.f32 $0xffff, v5;
	v5, _, _ =	vpop (xrf2)  }
0xff: {  	(v2sf) =	vpush v5, $0xF  }
0x100: {  	v7, _, _ =	vpop (xrf2)  }
0x101: {  	s2 =	simm.s32 $0x8050;
	(v2sf) =	vpush v7, $0xF  }
0x102: {  	s0 =	simm.s32 $0x20;
	(xrf2) =	vadd.scan.msk.f32 $0xffff, v4;
	v4 =	vld [tilespmem:s2+$0xFFFFFFF0]  }
0x103: {  	s22 =	sand.u32 $0x3FE0, s0  }
0x104: {  	s24 =	simm.s32 $0x30;
	v6 =	vld [tilespmem:s22+$0xC000];
	v8, _, _ =	vpop (xrf2)  }
0x105: {  	s24 =	sand.u32 $0x3FF0, s24;
	(v2sf) =	vpush v8, $0xF  }
0x106: {  	v9 =	vld [tilespmem:s24+$0xC000]  }
0x107: {  	s22 =	simm.f32 $0.0e+00;
	(xrf2) =	vadd.scan.msk.f32 $0xffff, v4  }
0x108: {  	v2 =	vbroadcast v2, $0xF;
	v3 =	vadd.f32 s22, v3  }
0x109: {  	(xrf2) =	vadd.scan.msk.f32 $0xffff, v6  }
0x10a: {  	v3 =	vadd.f32 v3, v2;
	s25 =	spop (v2sf)  }
0x10b: {  	v10 =	vld [tilespmem:s2+$0x0];
	s24 =	simm.s32 $0x8070;
	v11, _, _ =	vpop (xrf2);
	(xrf2) =	vadd.scan.msk.f32 $0xffff, v9;
	s23 =	sadd.f32 s25, s22;
	s25 =	simm.s32 $0x40  }
0x10c: {  	vm2 =	vgt.f32 v3, $0.0e+00;
	v4 =	vld [tilespmem:s24+$0xFFFFFFF0];
	s25 =	sand.u32 $0x3FE0, s25  }
0x10d: {  	v3 =	vnsel vm2, $0x3F800000, v3;
	(v2sf) =	vpush v11, $0xF;
	v9, _, _ =	vpop (xrf2);
	v5 =	vadd.f32 s23, v5;
	v6 =	vld [tilespmem:s25+$0xC000]  }
0x10e: {  	(erf) = vrcp.f32 v3;
	(v2sf) =	vpush v9, $0xF;
	s26 =	spop (v2sf)  }
0x10f: {  	v5 =	vadd.f32 v5, v2;
	s23 =	sadd.f32 s26, s23  }
0x110: {  	(xrf2) =	vadd.scan.msk.f32 $0xffff, v10;
	s30 =	spop (v2sf)  }
0x111: {  	s0 =	simm.s32 $0x50;
	(xrf2) =	vadd.scan.msk.f32 $0xffff, v4;
	v3, _, _ =	vpop (xrf2);
	vm3 =	vgt.f32 v5, $0.0e+00;
	s30 =	sadd.f32 s30, s23  }
0x112: {  	s25 =	sand.u32 $0x3FF0, s0;
	(v2sf) =	vpush v3, $0xF;
	v4 =	vnsel vm3, $0x3F800000, v5;
	(xrf2) =	vadd.scan.msk.f32 $0xffff, v6  }
0x113: {  	v10, _, _ =	vpop (xrf2);
	v5 =	vadd.f32 s22, v8;
	v8 =	vadd.f32 s30, v9;
	v9 =	vld [tilespmem:s25+$0xC000]  }
0x114: {  	(v2sf) =	vpush v10, $0xF;
	s2 =	spop (v2sf)  }
0x115: {  	v7 =	vadd.f32 s23, v7;
	(erf) = vrcp.f32 v4;
	v4, _, _ =	vpop (xrf2);
	s22 =	sadd.f32 s2, s22  }
0x116: {  	v13 =	vld [tilespmem:s24+$0x0];
	v5 =	vsub.f32 v2, v5;
	(v2sf) =	vpush v4, $0xF  }
0x117: {  	p0 =	por $0x1, $0x1;
	vm4 =	vmmov vm0;
	v14 =	vadd.f32 v8, v2;
	v8 =	vadd.f32 s22, v11;
	v11 =	vpop (erf)  }
0x118: {  	vm4 =	vmneg @p0 vm4;
	s25 =	simm.s32 $0x8090;
	v5 =	vmul.f32 v11, v5;
	(xrf2) =	vadd.scan.msk.f32 $0xffff, v9  }
0x119: {  	vm6 =	vmmov vm0;
	vm4 =	vmor vm4, vm1;
	v15 =	vld [tilespmem:s25+$0xFFFFFFF0]  }
0x11a: {  	vm5 =	vmmov vm2;
	s24 =	simm.s32 $0x60;
	vm3 =	vmand vm4, vm3;
	v12 =	vadd.f32 v7, v2;
	v7, _, _ =	vpop (xrf2)  }
0x11b: {  	vm2 =	vmmov vm3;
	s23 =	sand.u32 $0x3FE0, s24;
	(v2sf) =	vpush v7, $0xF;
	v16 =	vsub.f32 v2, v8;
	v8, _, _ =	vpop (xrf2);
	(xrf2) =	vadd.scan.msk.f32 $0xffff, v13  }
0x11c: {  	p0 =	por $0x1, $0x1;
	vm3 =	vgt.f32 v12, $0.0e+00;
	s26 =	spop (v2sf);
	v11 =	vld [tilespmem:s23+$0xC000];
	v18 =	vsub.f32 $1.000000000e+00, v5;
	(v2sf) =	vpush v8, $0xF;
	v5, _, _ =	vpop (xrf2)  }
0x11d: {  	s28 =	simm.s32 $0x70;
	vm6 =	vmneg @p0 vm6;
	v12 =	vnsel vm3, $0x3F800000, v12;
	s0 =	spop (v2sf);
	(v2sf) =	vpush v5, $0xF  }
0x11e: {  	s31 =	sand.u32 $0x3FF0, s28;
	vm6 =	vmor vm6, vm1;
	s26 =	sadd.f32 s26, s22;
	(erf) = vrcp.f32 v12;
	vm4 =	vgt.f32 v14, $0.0e+00;
	v17 =	vpop (erf);
	(xrf2) =	vadd.scan.msk.f32 $0xffff, v15  }
0x11f: {  	s29 =	simm.s32 $0x8;
	v6 =	vimm.f32 $0.0e+00;
	s24 =	simm.s32 $0x2;
	v12 =	vld [tilespmem:s31+$0xC000];
	v14 =	vnsel vm4, $0x3F800000, v14;
	v13 =	vmul.f32 v17, v16  }
0x120: {  	s22 =	simm.s32 $0x6;
	s23 =	simm.s32 $0x4;
	v10 =	vadd.f32 s26, v10;
	s31 =	sadd.f32 s0, s30;
	v9 =	vld [tilespmem:s25+$0x0];
	(erf) = vrcp.f32 v14;
	v14 =	vnsel vm5, $0x0, v18  }
.LBB2_12:
0x121: {  	(xrf2) =	vadd.scan.msk.f32 $0xffff, v11;
	s0 =	spop (v2sf);
	vm4 =	vmand vm6, vm4;
	v11 =	vsub.f32 $1.000000000e+00, v13;
	vm5 =	vmmov vm3;
	s2 =	smov.u32 s29;
	s29 =	sadd.s32 $0x2, s29  }
0x122: {  	v6 =	vadd.f32 v14, v6;
	p0 =	slt.u32 s29, $0x3FE;
	s30 =	sadd.f32 s0, s31;
	v13, _, _ =	vpop (xrf2)  }
0x123: {  	s28 =	sadd.s32 $0x20, s28;
	v14 =	vadd.f32 s31, v3;
	v3 =	vmovc v8;
	(v2sf) =	vpush v13, $0xF;
	s0 =	spop (v2sf);
	v11 =	vnsel vm2, $0x0, v11  }
0x124: {  	s25 =	sadd.s32 $0x20, s25;
	s31 =	sadd.s32 $0xFFFFFFF0, s28;
	vm2 =	vmmov vm4;
	(xrf2) =	vadd.scan.msk.f32 $0xffff, v12;
	v8 =	vadd.f32 s30, v7;
	s0 =	sadd.f32 s0, s26;
	v6 =	vadd.f32 v11, v6  }
0x125: {  	v10 =	vsub.f32 v2, v10;
	v14 =	vadd.f32 v14, v2;
	s26 =	sand.u32 $0x3FE0, s31;
	v12 =	vld [tilespmem:s25+$0xFFFFFFF0];
	v7, _, _ =	vpop (xrf2)  }
0x126: {  	v11 =	vld [tilespmem:s26+$0xC000];
	v15 =	vadd.f32 v8, v2;
	v17 =	vadd.f32 s0, v4;
	s26 =	spop (v2sf);
	v4 =	vmov v13  }
0x127: {  	vm6 =	vmmov vm0;
	s31 =	sadd.s32 $0x3, s24;
	s24 =	smov.u32 s23;
	vm3 =	vgt.f32 v14, $0.0e+00;
	(xrf2) =	vadd.scan.msk.f32 $0xffff, v9;
	(v2sf) =	vpush v7, $0xF;
	s26 =	sadd.f32 s26, s0;
	v13 =	vpop (erf)  }
.Ltmp5:
0x128: {  	s23 =	smov.u32 s22;
	p1 =	slt.u32 s31, $0x3FF;
	v9 =	vld [tilespmem:s25+$0x0];
	v8, _, _ =	vpop (xrf2);
	vm4 =	vgt.f32 v15, $0.0e+00;
	v10 =	vmul.f32 v13, v10;
	v13 =	vsub.f32 v2, v17;
	(pc) =	sbr.rel @p0 .LBB2_12-.Ltmp5, $4  }
0x129: {  	s22 =	smov.u32 s2;
	v14 =	vnsel vm3, $0x3F800000, v14;
	vm6 =	vmneg @p1 vm6;
	s0 =	sand.u32 $0x3FF0, s28;
	v15 =	vnsel vm4, $0x3F800000, v15;
	v16 =	vpop (erf)  }
0x12a: {  	(xrf2) =	vadd.scan.msk.f32 $0xffff, v12;
	v12 =	vld [tilespmem:s0+$0xC000];
	(v2sf) =	vpush v8, $0xF;
	(erf) = vrcp.f32 v14;
	s0 =	spop (v2sf);
	v14 =	vsub.f32 $1.000000000e+00, v10  }
0x12b: {  	vm6 =	vmor vm6, vm1;
	v10 =	vadd.f32 s26, v5;
	v13 =	vmul.f32 v16, v13;
	v5, _, _ =	vpop (xrf2);
	s31 =	sadd.f32 s0, s30  }
0x12c: {  	(v2sf) =	vpush v5, $0xF;
	(erf) = vrcp.f32 v15;
	v14 =	vnsel vm5, $0x0, v14  }
0x12d: {  	_ = 	snop  }
0x12e: {  	s0 =	sadd.s32 $0x20, s28  }
0x12f: {  	s2 =	sadd.s32 $0xFFFFFFF0, s0  }
0x130: {  	s2 =	sand.u32 $0x3FE0, s2  }
0x131: {  	v15, _, _ =	vpop (xrf2);
	v16 =	vld [tilespmem:s2+$0xC000]  }
0x132: {  	(xrf2) =	vadd.scan.msk.f32 $0xffff, v11;
	(v2sf) =	vpush v15, $0xF;
	v35, _, _ =	vpop (xrf2)  }
0x133: {  	(v2sf) =	vpush v35, $0xF  }
0x134: {  	(xrf2) =	vadd.scan.msk.f32 $0xffff, v12;
	v36, _, _ =	vpop (xrf2)  }
0x135: {  	s28 =	spop (v2sf);
	(xrf2) =	vadd.scan.msk.f32 $0xffff, v9;
	(v2sf) =	vpush v36, $0xF  }
0x136: {  	s25 =	spop (v2sf);
	(xrf2) =	vadd.scan.msk.f32 $0xffff, v16  }
0x137: {  	v37 =	vsub.f32 $1.000000000e+00, v13;
	s25 =	sadd.f32 s25, s26  }
0x138: {  	v6 =	vadd.f32 v14, v6;
	v3 =	vadd.f32 s31, v3;
	s24 =	sadd.s32 $0x3, s24;
	s2 =	sadd.f32 s28, s31  }
0x139: {  	v38 =	vsub.f32 v2, v10;
	vm5 =	vmmov vm0;
	p0 =	slt.u32 s24, $0x3FF;
	v4 =	vadd.f32 s25, v4  }
0x13a: {  	vm3 =	vmmov vm3;
	vm5 =	vmneg @p0 vm5;
	v7 =	vadd.f32 s2, v7  }
0x13b: {  	v3 =	vadd.f32 v3, v2;
	vm7 =	vmor vm5, vm1;
	s26 =	spop (v2sf);
	v40 =	vpop (erf);
	v4 =	vsub.f32 v2, v4  }
0x13c: {  	s25 =	sadd.f32 s26, s25;
	v9 =	vnsel vm2, $0x0, v37;
	vm2 =	vmand vm6, vm4;
	v7 =	vadd.f32 v7, v2;
	v39, _, _ =	vpop (xrf2)  }
0x13d: {  	v6 =	vadd.f32 v9, v6;
	vm4 =	vmmov vm2;
	v44 =	vpop (erf);
	s29 =	spop (v2sf);
	(v2sf) =	vpush v39, $0xF  }
0x13e: {  	vm2 =	vgt.f32 v3, $0.0e+00;
	v9 =	vmul.f32 v40, v38;
	v5 =	vadd.f32 s25, v5;
	s2 =	sadd.f32 s29, s2;
	v41, _, _ =	vpop (xrf2)  }
0x13f: {  	vm12 =	vgt.f32 v7, $0.0e+00;
	v3 =	vnsel vm2, $0x3F800000, v3;
	s30 =	spop (v2sf);
	(v2sf) =	vpush v41, $0xF;
	v42, _, _ =	vpop (xrf2)  }
0x140: {  	(erf) = vrcp.f32 v3;
	v3 =	vadd.f32 s2, v8;
	s28 =	sadd.f32 s30, s2;
	s31 =	spop (v2sf);
	(v2sf) =	vpush v42, $0xF;
	v43, _, _ =	vpop (xrf2)  }
0x141: {  	s0 =	sand.u32 $0x3FF0, s0;
	v4 =	vmul.f32 v44, v4;
	v7 =	vnsel vm12, $0x3F800000, v7;
	s24 =	spop (v2sf);
	(v2sf) =	vpush v43, $0xF  }
0x142: {  	v45 =	vld [tilespmem:s0+$0xC000];
	(erf) = vrcp.f32 v7;
	v3 =	vadd.f32 v3, v2;
	v11 =	vadd.f32 s28, v35;
	s29 =	spop (v2sf)  }
0x143: {  	vm2 =	vmmov vm2;
	v9 =	vsub.f32 $1.000000000e+00, v9;
	vm7 =	vmand vm7, vm12;
	s30 =	sadd.f32 s29, s28  }
0x144: {  	v5 =	vsub.f32 v2, v5;
	s2 =	sadd.f32 s31, s25;
	vm13 =	vgt.f32 v3, $0.0e+00;
	v11 =	vadd.f32 v11, v2;
	s31 =	spop (v2sf)  }
0x145: {  	v4 =	vsub.f32 $1.000000000e+00, v4;
	v3 =	vnsel vm13, $0x3F800000, v3;
	v12 =	vadd.f32 s30, v36;
	s25 =	sadd.f32 s31, s30  }
0x146: {  	vm7 =	vmmov vm7;
	(erf) = vrcp.f32 v3;
	vm14 =	vgt.f32 v11, $0.0e+00  }
0x147: {  	(xrf2) =	vadd.scan.msk.f32 $0xffff, v45;
	v3 =	vnsel vm14, $0x3F800000, v11;
	v12 =	vadd.f32 v12, v2;
	v46 =	vadd.f32 s25, v42  }
0x148: {  	v9 =	vnsel vm3, $0x0, v9;
	v4 =	vnsel vm4, $0x0, v4;
	v15 =	vadd.f32 s2, v15  }
0x149: {  	(erf) = vrcp.f32 v3;
	vm3 =	vgt.f32 v12, $0.0e+00;
	v11 =	vadd.f32 v46, v2  }
0x14a: {  	v6 =	vadd.f32 v9, v6;
	s24 =	sadd.f32 s24, s2;
	v47 =	vsub.f32 v2, v15;
	v3 =	vpop (erf);
	v12 =	vnsel vm3, $0x3F800000, v12  }
0x14b: {  	v3 =	vmul.f32 v3, v5;
	v48 =	vpop (erf);
	(erf) = vrcp.f32 v12;
	vm15 =	vgt.f32 v11, $0.0e+00  }
0x14c: {  	v49 =	vadd.f32 s24, v39;
	v5 =	vmul.f32 v48, v47;
	s25 =	spop (v2sf);
	v50 =	vnsel vm15, $0x3F800000, v11  }
0x14d: {  	v4 =	vadd.f32 v4, v6;
	v3 =	vsub.f32 $1.000000000e+00, v3;
	s0 =	sadd.f32 s25, s24;
	(erf) = vrcp.f32 v50  }
0x14e: {  	s26 =	sadd.s32 $0x3, s23;
	vm5 =	vmmov vm13;
	v7 =	vsub.f32 v2, v49;
	v5 =	vsub.f32 $1.000000000e+00, v5;
	s28 =	spop (v2sf)  }
0x14f: {  	p0 =	slt.u32 s26, $0x3FF;
	v51 =	vpop (erf);
	v3 =	vnsel vm2, $0x0, v3;
	vm2 =	vmmov vm0;
	v52 =	vadd.f32 s0, v41;
	s0 =	sadd.f32 s28, s0;
	s29 =	spop (v2sf)  }
0x150: {  	v53 =	vmul.f32 v51, v7;
	v5 =	vnsel vm7, $0x0, v5;
	vm2 =	vmneg @p0 vm2;
	s2 =	spop (v2sf)  }
0x151: {  	v56, _, _ =	vpop (xrf2);
	vm2 =	vmor vm2, vm1;
	v55 =	vsub.f32 v2, v52;
	v8 =	vadd.f32 s0, v43;
	s0 =	sadd.f32 s2, s0  }
0x152: {  	v3 =	vadd.f32 v3, v4;
	v54 =	vpop (erf);
	v57 =	vsub.f32 $1.000000000e+00, v53;
	vm2 =	vmand vm2, vm14  }
0x153: {  	v58 =	vmul.f32 v54, v55;
	v59 =	vsub.f32 v2, v8;
	v60 =	vadd.f32 s0, v56  }
0x154: {  	s30 =	sadd.s32 $0x3, s22;
	v3 =	vadd.f32 v5, v3;
	v4 =	vnsel vm5, $0x0, v57;
	vm5 =	vmmov vm0;
	v61 =	vpop (erf)  }
0x155: {  	p0 =	slt.u32 s30, $0x3FF;
	v6 =	vsub.f32 $1.000000000e+00, v58;
	v5 =	vmul.f32 v61, v59;
	v2 =	vsub.f32 v2, v60  }
0x156: {  	vm2 =	vmmov vm2;
	vm5 =	vmneg @p0 vm5;
	v3 =	vadd.f32 v4, v3;
	v62 =	vpop (erf)  }
0x157: {  	v6 =	vnsel vm2, $0x0, v6;
	v5 =	vsub.f32 $1.000000000e+00, v5;
	v2 =	vmul.f32 v62, v2  }
0x158: {  	vm3 =	vmmov vm3;
	vm2 =	vmor vm5, vm1;
	v3 =	vadd.f32 v6, v3  }
0x159: {  	vm2 =	vmand vm2, vm15;
	v63 =	vnsel vm3, $0x0, v5;
	v2 =	vsub.f32 $1.000000000e+00, v2  }
0x15a: {  	vm2 =	vmmov vm2;
	v3 =	vadd.f32 v63, v3  }
0x15b: {  	v2 =	vnsel vm2, $0x0, v2  }
0x15c: {  	v2 =	vadd.f32 v2, v3;
	_ =	sdelay $0x1  }
0x15d: {  	(xrf2) =	vadd.scan.msk.f32 $0xffff, v2;
	_ =	sdelay $0x9  }
0x15e: {  	(v2sf) =	vpush v56, $0xF;
	v2, _, _ =	vpop (xrf2)  }
0x15f: {  	(v2sf) =	vpush v2, $0xF;
	_ =	sdelay $0xd  }
0x160: {  	s31 =	spop (v2sf)  }
0x161: {  	s0 =	spop (v2sf)  }
0x162: {  	s0 =	sadd.f32 $5.000000000e-01, s0;
	_ =	sdelay $0x1  }
0x163: {  	s0 =	smul.f32 $9.765625000e-04, s0  }
0x164: {  	s21 =	sadd.s32 $0x1, s21  }
0x165: {  	p0 =	sne.s32 s21, s10;
	v2 =	vmov s0  }
.Ltmp6:
0x166: {  	[tilespmem:$0x10000] =	vst v2;
	(pc) =	sbr.rel @p0 .LBB2_1-.Ltmp6, $4  }
0x167: {  	[hbm4b:s9+s4] =	stream.linear.scatter [tilespmem:s19], [sflag:$0x5], $0x80, $0x38;
	[tilespmem:$0x10080] =	vst v63  }
0x168: {  	_ =	swait.ge [sflag:s20], $0x80  }
0x169: {  	[sflag:s20] =	ssyncset.done $0x0  }
0x16a: {  	[sflag:s20] =	ssyncadd.s32 $0xFFFFFF80  }
0x16b: {  	_ =	sfence.sel $0x180000  }
0x16c: {  	[bflag:$0x0] =	sbarrier.arrive $0xFFFF  }
0x16d: {  	_ =	strace $0x90000047  }
0x16e: {  	s0 =	stileid.u32;
	[bflag:$0x2] =	sbarrier.arrive $0xFFFF  }
0x16f: {  	p0 =	sne.s32 s0, $0x0;
	s0 =	rddreg [dreg:$0x3]  }
0x170: {  	s0 =	sadd.s32 @!p0 $0x100000, s0  }
0x171: {  	[sflag:s0] =	ssyncadd.tile.s32 @!p0 $0x1;
	_ =	shalt  }
.Lfunc_end2:
_tile_overlayer_lowered:
.L_overlay_start_2:
0x172: {  	(tag) =	ssettag $0x2  }
0x173: {  	s0 =	rddreg [dreg:$0x0];
	s2 =	stileid.u32  }
0x174: {  	s1 =	rddreg [dreg:$0x1];
	p0 =	sne.s32 s2, $0x0  }
0x175: {  	s3 =	rddreg [dreg:$0x2];
	[bflag:$0x3] =	sbarrier.arrive $0xFFFF;
	s2 =	simm.s32 @!p0 $0x1C05  }
0x176: {  	[timem:s3], [sflag:s2] =	dma.local @!p0 [hbm:s0], s1  }
0x177: {  	s0 =	simm.s32 @!p0 $0x5  }
0x178: {  	_ =	swait.ge @!p0 [sflag:s0], s1  }
0x179: {  	s1 =	ssub.s32 @!p0 $0x0, s1;
	[sflag:s0] =	ssyncset.done @!p0 $0x0  }
0x17a: {  	[sflag:s0] =	ssyncadd.s32 @!p0 s1  }
0x17b: {  	[bflag:$0x3] =	sbarrier.arrive $0xFFFF  }
0x17c: {  	_ =	shalt  }

</sc_bundles>
